<compile_context>
chip_gen: v7x
topology: tpu7x:2x2x1
jax: 0.10.2.dev20260603
libtpu: 0.0.44.dev20260713+nightly
codegen_flags: <defaults>
</compile_context>

<pallas_src>
import functools

import jax
import jax.numpy as jnp
from jax import lax
from jax.experimental import pallas as pl
from jax.experimental.pallas import tpu as pltpu
from jax.experimental.pallas import tpu_sc as plsc

TOPK_NUM = 64
TEMP = 0.1
EPS = 1e-20

_NC = 2
_NS = 16
_L = 16


def _stage_a_body(x_ref, w_ref, ut_ref, zt_ref, xt_ref, mp_ref):
    W = w_ref[...]
    n, c, hw = x_ref.shape
    cp = xt_ref.shape[2]
    for b in range(n):
        x = x_ref[b]
        ut = ut_ref[b]
        xt = jnp.transpose(x)
        mt = lax.dot_general(
            xt, W, (((1,), (1,)), ((), ())),
            preferred_element_type=jnp.float32,
        )
        g = -jnp.log(-jnp.log(ut + EPS) + EPS)
        zt_ref[b] = mt + g
        xt_ref[b] = jnp.concatenate(
            [xt, jnp.zeros((hw, cp - c), jnp.float32)], axis=1
        )
        mmax = jnp.max(mt, axis=1, keepdims=True)
        e = jnp.exp(mt - mmax)
        mpT = e / jnp.sum(e, axis=1, keepdims=True)
        mp_ref[b] = jnp.transpose(mpT)


def _stage_c_body(mp_ref, packed_ref, out_ref):
    n, c, hw = out_ref.shape
    qn = packed_ref.shape[1]
    k = packed_ref.shape[2] - 8
    for b in range(n):
        mp = mp_ref[b]
        cv = packed_ref[b, :, k, :k]
        cvT = jnp.transpose(cv)
        bestv = jnp.max(cvT, axis=1, keepdims=True)
        eq = cvT == bestv
        taken = jnp.zeros_like(bestv, dtype=jnp.bool_)
        xc = jnp.zeros_like(packed_ref[0, 0, :k])
        for q in range(qn):
            m = jnp.logical_and(eq[:, q:q + 1], jnp.logical_not(taken))
            taken = jnp.logical_or(taken, m)
            xc = xc + jnp.where(m, packed_ref[b, q, :k], 0.0)
        res = lax.dot_general(
            xc, mp, (((0,), (0,)), ((), ())),
            preferred_element_type=jnp.float32,
        )
        out_ref[b] = res[:c, :]


def _make_sc_argmax_gather(n, k, hw, cp):
    gpk = k // _L
    bpc = n // _NC
    qn = _NS // bpc
    ch = hw // qn

    mesh = plsc.VectorSubcoreMesh(
        core_axis_name="c",
        subcore_axis_name="s",
        num_cores=_NC,
        num_subcores=_NS,
    )

    @functools.partial(
        pl.kernel,
        mesh=mesh,
        out_type=jax.ShapeDtypeStruct((n * qn * (k + 8), cp), jnp.float32),
        scratch_types=[
            pltpu.VMEM((ch, k), jnp.float32),
            pltpu.VMEM((cp,), jnp.float32),
            pltpu.VMEM((k,), jnp.int32),
            pltpu.VMEM((k, cp), jnp.float32),
            pltpu.SemaphoreType.DMA,
            pltpu.SemaphoreType.DMA,
        ],
    )
    def sc_fn(zt_hbm, xt_hbm, packed_hbm, z_v, candv_v, idx_v,
              rows_v, zsem, gsem):
        ci = lax.axis_index("c")
        s = lax.axis_index("s")
        b_local = s // qn
        batch = ci * bpc + b_local
        q = s % qn
        shard = batch * qn + q

        pltpu.async_copy(
            zt_hbm.at[batch, pl.ds(q * ch, ch)], z_v, zsem
        ).wait()

        def body(p, carry):
            new = []
            for g in range(gpk):
                vmax, vidx = carry[2 * g], carry[2 * g + 1]
                chunk = z_v[p, pl.ds(g * _L, _L)]
                upd = chunk > vmax
                vmax = jnp.where(upd, chunk, vmax)
                vidx = jnp.where(upd, p, vidx)
                new.extend((vmax, vidx))
            return tuple(new)

        init = []
        for _ in range(gpk):
            init.append(jnp.full((_L,), -jnp.inf, jnp.float32))
            init.append(jnp.zeros((_L,), jnp.int32))
        flat = lax.fori_loop(0, ch, body, tuple(init))

        for g in range(gpk):
            candv_v[pl.ds(g * _L, _L)] = flat[2 * g]
            idx_v[pl.ds(g * _L, _L)] = (
                flat[2 * g + 1] + q * ch + batch * hw
            )

        pltpu.async_copy(xt_hbm.at[idx_v], rows_v, gsem).wait()
        base = shard * (k + 8)
        pltpu.sync_copy(rows_v, packed_hbm.at[pl.ds(base, k)])
        pltpu.sync_copy(candv_v, packed_hbm.at[base + k])

    return sc_fn


def kernel(x, W, U):
    n, c, h, w = x.shape
    k = W.shape[0]
    hw = h * w
    cp = 128
    x2 = x.reshape(n, c, hw)
    U2t = U.reshape(n, k, hw).transpose(0, 2, 1)

    zt, xt, mp = pl.pallas_call(
        _stage_a_body,
        out_shape=[
            jax.ShapeDtypeStruct((n, hw, k), jnp.float32),
            jax.ShapeDtypeStruct((n, hw, cp), jnp.float32),
            jax.ShapeDtypeStruct((n, k, hw), jnp.float32),
        ],
    )(x2, W, U2t)

    qn = (_NC * _NS) // n
    sc_fn = _make_sc_argmax_gather(n, k, hw, cp)
    packed = sc_fn(zt, xt.reshape(n * hw, cp))

    out = pl.pallas_call(
        _stage_c_body,
        out_shape=jax.ShapeDtypeStruct((n, c, hw), jnp.float32),
    )(mp, packed.reshape(n, qn, k + 8, cp))
    return out.reshape(n, c, h, w)

# --- scband reference (transcript-rebuilt; emitter-appended) ---
"""Pipeline reference for scband-sparse-vc-map-combination-86337432584589 (READ-ONLY COPY).

The authoritative reference and input builder live on the scoring server;
editing this copy changes nothing except your own understanding.
"""

import jax, jax.numpy as jnp
import numpy as np

TOPK_NUM = 64  # max(int(0.0625 * 32**2), 1)
TEMP = 0.1
EPS = 1e-20


def setup_inputs(seed: int = 0) -> dict:
    key = jax.random.key(seed)
    k1, k2, k3 = jax.random.split(key, 3)
    x = jax.random.normal(k1, (4, 96, 32, 32), dtype=jnp.float32)
    # map_conv: 1x1 conv ch->topk_num, no bias => weight [topk_num, ch]
    W = jax.random.normal(k2, (TOPK_NUM, 96), dtype=jnp.float32) * 0.05
    # gumbel uniform noise, same shape as mapping output [n, topk_num, h, w]
    U = jax.random.uniform(k3, (4, TOPK_NUM, 32, 32), dtype=jnp.float32)
    return {"x": x, "W": W, "U": U}


def reference(x, W, U):
    n, c, h, w = x.shape
    k = TOPK_NUM
    # 1x1 conv == channel matmul
    mapping = jnp.einsum('nchw,kc->nkhw', x, W)
    # gumbel_top_softmax(mapping, 1, temp) -> straight-through one-hot mask over h*w
    g = -jnp.log(-jnp.log(U + EPS) + EPS)
    y = jax.nn.softmax((mapping + g).reshape(n, k, h * w) / TEMP, axis=2)
    _, idx = jax.lax.top_k(y, 1)  # [n, k, 1]
    mask = jax.nn.one_hot(idx[..., 0], h * w, dtype=y.dtype)  # scatter 1.0 at top-1 index
    st = jax.lax.stop_gradient(mask - y) + y
    st = st.reshape(n, k, h, w)
    # combine: [n,k,1,h,w] * [n,1,c,h,w] summed over spatial -> [n,k,c]
    xc = jnp.sum(st[:, :, None, :, :] * x[:, None, :, :, :], axis=(3, 4))
    xt = jnp.transpose(xc, (0, 2, 1))  # [n, c, k]
    mp = jax.nn.softmax(mapping.reshape(n, k, h * w), axis=1)
    out = jnp.matmul(xt, mp).reshape(n, c, h, w)
    return out

if __name__ == "__main__":
    import jax
    _d = setup_inputs()
    print(jax.jit(kernel)(*tuple(_d.values())))

</pallas_src>

<mosaic_0001>
#map = affine_map<(d0, d1) -> (0, 0, 0)>
#map1 = affine_map<(d0, d1) -> (0, 0)>
module attributes {stable_mosaic.version = 14 : i64} {
  func.func @sc_fn(%arg0: i32, %arg1: i32, %arg2: memref<4x1024x64xf32, #tpu.memory_space<hbm>>, %arg3: memref<4096x128xf32, #tpu.memory_space<hbm>>, %arg4: memref<2304x128xf32, #tpu.memory_space<hbm>>, %arg5: memref<128x64xf32, #tpu.memory_space<vmem>>, %arg6: memref<128xf32, #tpu.memory_space<vmem>>, %arg7: memref<64xi32, #tpu.memory_space<vmem>>, %arg8: memref<64x128xf32, #tpu.memory_space<vmem>>, %arg9: memref<!tpu.dma_semaphore, #tpu.memory_space<semaphore_mem>>, %arg10: memref<!tpu.dma_semaphore, #tpu.memory_space<semaphore_mem>>) attributes {dimension_semantics = [#tpu.dimension_semantics<core_parallel>, #tpu.dimension_semantics<subcore_parallel>], iteration_bounds = array<i64: 2, 16>, scalar_prefetch = 0 : i64, scratch_operands = 6 : i64, tpu.core_type = #tpu.core_type<sc_vector_subcore>, window_params = [{transform_indices = #map}, {transform_indices = #map1}, {transform_indices = #map1}]} {
    %jit3A = arith.constant 8 : i32
    %div3A = arith.divsi %arg1, %jit3A : i32
    %sign3A = arith.constant 0 : i32
    %sign3A_0 = arith.cmpi sgt, %arg1, %sign3A : i32
    %sign3A_1 = arith.extui %sign3A_0 : i1 to i32
    %sign3A_2 = arith.constant 0 : i32
    %sign3A_3 = arith.cmpi slt, %arg1, %sign3A_2 : i32
    %sign3A_4 = arith.extui %sign3A_3 : i1 to i32
    %sign3A_5 = arith.subi %sign3A_1, %sign3A_4 : i32
    %sign3A_6 = arith.constant 0 : i32
    %sign3A_7 = arith.cmpi sgt, %jit3A, %sign3A_6 : i32
    %sign3A_8 = arith.extui %sign3A_7 : i1 to i32
    %sign3A_9 = arith.constant 0 : i32
    %sign3A_10 = arith.cmpi slt, %jit3A, %sign3A_9 : i32
    %sign3A_11 = arith.extui %sign3A_10 : i1 to i32
    %sign3A_12 = arith.subi %sign3A_8, %sign3A_11 : i32
    %ne3A = arith.cmpi ne, %sign3A_5, %sign3A_12 : i32
    %rem3A = arith.remsi %arg1, %jit3A : i32
    %ne3A_13 = arith.constant 0 : i32
    %ne3A_14 = arith.cmpi ne, %rem3A, %ne3A_13 : i32
    %and3A = arith.andi %ne3A, %ne3A_14 : i1
    %sub3A = arith.constant 1 : i32
    %sub3A_15 = arith.subi %div3A, %sub3A : i32
    %select_n3A = arith.select %and3A, %sub3A_15, %div3A : i32
    %mul3A = arith.constant 2 : i32
    %mul3A_16 = arith.muli %arg0, %mul3A : i32
    %add3A = arith.addi %mul3A_16, %select_n3A : i32
    %jit3A_17 = arith.constant 8 : i32
    %eq3A = arith.constant 0 : i32
    %eq3A_18 = arith.cmpi eq, %jit3A_17, %eq3A : i32
    %jit3A_19 = arith.constant 1 : i32
    %select_n3A_20 = arith.select %eq3A_18, %jit3A_19, %jit3A_17 : i32
    %rem3A_21 = arith.remsi %arg1, %select_n3A_20 : i32
    %ne3A_22 = arith.constant 0 : i32
    %ne3A_23 = arith.cmpi ne, %rem3A_21, %ne3A_22 : i32
    %lt3A = arith.constant 0 : i32
    %lt3A_24 = arith.cmpi slt, %rem3A_21, %lt3A : i32
    %lt3A_25 = arith.constant 0 : i32
    %lt3A_26 = arith.cmpi slt, %select_n3A_20, %lt3A_25 : i32
    %ne3A_27 = arith.xori %lt3A_24, %lt3A_26 : i1
    %and3A_28 = arith.andi %ne3A_27, %ne3A_23 : i1
    %add3A_29 = arith.addi %rem3A_21, %select_n3A_20 : i32
    %select_n3A_30 = arith.select %and3A_28, %add3A_29, %rem3A_21 : i32
    %mul3A_31 = arith.constant 8 : i32
    %mul3A_32 = arith.muli %add3A, %mul3A_31 : i32
    %add3A_33 = arith.addi %mul3A_32, %select_n3A_30 : i32
    %mul3A_34 = arith.constant 128 : i32
    %mul3A_35 = arith.muli %select_n3A_30, %mul3A_34 : i32
    %dma_start3A = arith.constant 0 : i32
    %dma_start3A_36 = tpu.memref_slice %arg2[%add3A, %mul3A_35, %dma_start3A] : memref<4x1024x64xf32, #tpu.memory_space<hbm>> -> memref<1x128x64xf32, #tpu.memory_space<hbm>>
    %dma_start3A_37 = tpu.memref_squeeze %dma_start3A_36 : memref<1x128x64xf32, #tpu.memory_space<hbm>> -> memref<128x64xf32, #tpu.memory_space<hbm>>
    %dma_start3A_38 = arith.constant 0 : i32
    %dma_start3A_39 = tpu.memref_slice %arg2[%add3A, %mul3A_35, %dma_start3A_38] : memref<4x1024x64xf32, #tpu.memory_space<hbm>> -> memref<1x128x64xf32, #tpu.memory_space<hbm>>
    %dma_start3A_40 = tpu.memref_squeeze %dma_start3A_39 : memref<1x128x64xf32, #tpu.memory_space<hbm>> -> memref<128x64xf32, #tpu.memory_space<hbm>>
    tpu.enqueue_dma source(%dma_start3A_40 : memref<128x64xf32, #tpu.memory_space<hbm>>) target(%arg5 : memref<128x64xf32, #tpu.memory_space<vmem>>) target_semaphore(%arg9 : memref<!tpu.dma_semaphore, #tpu.memory_space<semaphore_mem>>)
    %dma_wait3A = arith.constant 0 : i32
    %dma_wait3A_41 = tpu.memref_slice %arg2[%add3A, %mul3A_35, %dma_wait3A] : memref<4x1024x64xf32, #tpu.memory_space<hbm>> -> memref<1x128x64xf32, #tpu.memory_space<hbm>>
    %dma_wait3A_42 = tpu.memref_squeeze %dma_wait3A_41 : memref<1x128x64xf32, #tpu.memory_space<hbm>> -> memref<128x64xf32, #tpu.memory_space<hbm>>
    %dma_wait3A_43 = arith.constant 0 : i32
    %dma_wait3A_44 = tpu.memref_slice %arg2[%add3A, %mul3A_35, %dma_wait3A_43] : memref<4x1024x64xf32, #tpu.memory_space<hbm>> -> memref<1x128x64xf32, #tpu.memory_space<hbm>>
    %dma_wait3A_45 = tpu.memref_squeeze %dma_wait3A_44 : memref<1x128x64xf32, #tpu.memory_space<hbm>> -> memref<128x64xf32, #tpu.memory_space<hbm>>
    tpu.wait_dma2 semaphore(%arg9 : memref<!tpu.dma_semaphore, #tpu.memory_space<semaphore_mem>>) src(%dma_wait3A_45 : memref<128x64xf32, #tpu.memory_space<hbm>>) dst(%arg5 : memref<128x64xf32, #tpu.memory_space<vmem>>)
    %broadcast_in_dim3A = arith.constant 0xFF800000 : f32
    %broadcast_in_dim3A_46 = vector.broadcast %broadcast_in_dim3A : f32 to vector<16xf32>
    %broadcast_in_dim3A_47 = arith.constant 0 : i32
    %broadcast_in_dim3A_48 = vector.broadcast %broadcast_in_dim3A_47 : i32 to vector<16xi32>
    %broadcast_in_dim3A_49 = arith.constant 0xFF800000 : f32
    %broadcast_in_dim3A_50 = vector.broadcast %broadcast_in_dim3A_49 : f32 to vector<16xf32>
    %broadcast_in_dim3A_51 = arith.constant 0 : i32
    %broadcast_in_dim3A_52 = vector.broadcast %broadcast_in_dim3A_51 : i32 to vector<16xi32>
    %broadcast_in_dim3A_53 = arith.constant 0xFF800000 : f32
    %broadcast_in_dim3A_54 = vector.broadcast %broadcast_in_dim3A_53 : f32 to vector<16xf32>
    %broadcast_in_dim3A_55 = arith.constant 0 : i32
    %broadcast_in_dim3A_56 = vector.broadcast %broadcast_in_dim3A_55 : i32 to vector<16xi32>
    %broadcast_in_dim3A_57 = arith.constant 0xFF800000 : f32
    %broadcast_in_dim3A_58 = vector.broadcast %broadcast_in_dim3A_57 : f32 to vector<16xf32>
    %broadcast_in_dim3A_59 = arith.constant 0 : i32
    %broadcast_in_dim3A_60 = vector.broadcast %broadcast_in_dim3A_59 : i32 to vector<16xi32>
    %scan3A = arith.constant 0 : i32
    %scan3A_61 = arith.constant 128 : i32
    %scan3A_62 = arith.addi %scan3A, %scan3A_61 : i32
    %scan3A_63 = arith.constant 1 : i32
    %scan3A_64:8 = scf.for %scan3A_139 = %scan3A to %scan3A_62 step %scan3A_63 iter_args(%scan3A_140 = %broadcast_in_dim3A_46, %scan3A_141 = %broadcast_in_dim3A_48, %scan3A_142 = %broadcast_in_dim3A_50, %scan3A_143 = %broadcast_in_dim3A_52, %scan3A_144 = %broadcast_in_dim3A_54, %scan3A_145 = %broadcast_in_dim3A_56, %scan3A_146 = %broadcast_in_dim3A_58, %scan3A_147 = %broadcast_in_dim3A_60) -> (vector<16xf32>, vector<16xi32>, vector<16xf32>, vector<16xi32>, vector<16xf32>, vector<16xi32>, vector<16xf32>, vector<16xi32>)  : i32 {
      %get3A = arith.index_cast %scan3A_139 : i32 to index
      %get3A_148 = arith.constant 0 : index
      %get3A_149 = tpu.vector_load %arg5[%get3A, %get3A_148] {strides = array<i32>} : memref<128x64xf32, #tpu.memory_space<vmem>>, vector<1x16xf32>,
      %get3A_150 = vector.shape_cast %get3A_149 : vector<1x16xf32> to vector<16xf32>
      %gt3A = arith.cmpf ogt, %get3A_150, %scan3A_140 : vector<16xf32>
      %select_n3A_151 = arith.select %gt3A, %get3A_150, %scan3A_140 : vector<16xi1>, vector<16xf32>
      %broadcast_in_dim3A_152 = vector.broadcast %scan3A_139 : i32 to vector<16xi32>
      %select_n3A_153 = arith.select %gt3A, %broadcast_in_dim3A_152, %scan3A_141 : vector<16xi1>, vector<16xi32>
      %get3A_154 = arith.index_cast %scan3A_139 : i32 to index
      %get3A_155 = arith.constant 16 : index
      %get3A_156 = tpu.vector_load %arg5[%get3A_154, %get3A_155] {strides = array<i32>} : memref<128x64xf32, #tpu.memory_space<vmem>>, vector<1x16xf32>,
      %get3A_157 = vector.shape_cast %get3A_156 : vector<1x16xf32> to vector<16xf32>
      %gt3A_158 = arith.cmpf ogt, %get3A_157, %scan3A_142 : vector<16xf32>
      %select_n3A_159 = arith.select %gt3A_158, %get3A_157, %scan3A_142 : vector<16xi1>, vector<16xf32>
      %broadcast_in_dim3A_160 = vector.broadcast %scan3A_139 : i32 to vector<16xi32>
      %select_n3A_161 = arith.select %gt3A_158, %broadcast_in_dim3A_160, %scan3A_143 : vector<16xi1>, vector<16xi32>
      %get3A_162 = arith.index_cast %scan3A_139 : i32 to index
      %get3A_163 = arith.constant 32 : index
      %get3A_164 = tpu.vector_load %arg5[%get3A_162, %get3A_163] {strides = array<i32>} : memref<128x64xf32, #tpu.memory_space<vmem>>, vector<1x16xf32>,
      %get3A_165 = vector.shape_cast %get3A_164 : vector<1x16xf32> to vector<16xf32>
      %gt3A_166 = arith.cmpf ogt, %get3A_165, %scan3A_144 : vector<16xf32>
      %select_n3A_167 = arith.select %gt3A_166, %get3A_165, %scan3A_144 : vector<16xi1>, vector<16xf32>
      %broadcast_in_dim3A_168 = vector.broadcast %scan3A_139 : i32 to vector<16xi32>
      %select_n3A_169 = arith.select %gt3A_166, %broadcast_in_dim3A_168, %scan3A_145 : vector<16xi1>, vector<16xi32>
      %get3A_170 = arith.index_cast %scan3A_139 : i32 to index
      %get3A_171 = arith.constant 48 : index
      %get3A_172 = tpu.vector_load %arg5[%get3A_170, %get3A_171] {strides = array<i32>} : memref<128x64xf32, #tpu.memory_space<vmem>>, vector<1x16xf32>,
      %get3A_173 = vector.shape_cast %get3A_172 : vector<1x16xf32> to vector<16xf32>
      %gt3A_174 = arith.cmpf ogt, %get3A_173, %scan3A_146 : vector<16xf32>
      %select_n3A_175 = arith.select %gt3A_174, %get3A_173, %scan3A_146 : vector<16xi1>, vector<16xf32>
      %broadcast_in_dim3A_176 = vector.broadcast %scan3A_139 : i32 to vector<16xi32>
      %select_n3A_177 = arith.select %gt3A_174, %broadcast_in_dim3A_176, %scan3A_147 : vector<16xi1>, vector<16xi32>
      scf.yield %select_n3A_151, %select_n3A_153, %select_n3A_159, %select_n3A_161, %select_n3A_167, %select_n3A_169, %select_n3A_175, %select_n3A_177 : vector<16xf32>, vector<16xi32>, vector<16xf32>, vector<16xi32>, vector<16xf32>, vector<16xi32>, vector<16xf32>, vector<16xi32>
    }
    %scan3A_65 = arith.constant 128 : i32
    %swap3A = arith.constant 0 : index
    %swap3A_66 = tpu.vector_load %arg6[%swap3A] {strides = array<i32>} : memref<128xf32, #tpu.memory_space<vmem>>, vector<16xf32>,
    %swap3A_67 = vector.shape_cast %swap3A_66 : vector<16xf32> to vector<16xf32>
    %swap3A_68 = vector.shape_cast %scan3A_64#0 : vector<16xf32> to vector<16xf32>
    tpu.vector_store %arg6[%swap3A], %swap3A_68 {strides = array<i32>} : memref<128xf32, #tpu.memory_space<vmem>>, vector<16xf32>,
    %mul3A_69 = arith.constant 128 : i32
    %mul3A_70 = arith.muli %select_n3A_30, %mul3A_69 : i32
    %add3A_71 = vector.broadcast %mul3A_70 : i32 to vector<16xi32>
    %add3A_72 = arith.addi %scan3A_64#1, %add3A_71 : vector<16xi32>
    %mul3A_73 = arith.constant 1024 : i32
    %mul3A_74 = arith.muli %add3A, %mul3A_73 : i32
    %add3A_75 = vector.broadcast %mul3A_74 : i32 to vector<16xi32>
    %add3A_76 = arith.addi %add3A_72, %add3A_75 : vector<16xi32>
    %swap3A_77 = arith.constant 0 : index
    %swap3A_78 = tpu.vector_load %arg7[%swap3A_77] {strides = array<i32>} : memref<64xi32, #tpu.memory_space<vmem>>, vector<16xi32>,
    %swap3A_79 = vector.shape_cast %swap3A_78 : vector<16xi32> to vector<16xi32>
    %swap3A_80 = vector.shape_cast %add3A_76 : vector<16xi32> to vector<16xi32>
    tpu.vector_store %arg7[%swap3A_77], %swap3A_80 {strides = array<i32>} : memref<64xi32, #tpu.memory_space<vmem>>, vector<16xi32>,
    %swap3A_81 = arith.constant 16 : index
    %swap3A_82 = tpu.vector_load %arg6[%swap3A_81] {strides = array<i32>} : memref<128xf32, #tpu.memory_space<vmem>>, vector<16xf32>,
    %swap3A_83 = vector.shape_cast %swap3A_82 : vector<16xf32> to vector<16xf32>
    %swap3A_84 = vector.shape_cast %scan3A_64#2 : vector<16xf32> to vector<16xf32>
    tpu.vector_store %arg6[%swap3A_81], %swap3A_84 {strides = array<i32>} : memref<128xf32, #tpu.memory_space<vmem>>, vector<16xf32>,
    %mul3A_85 = arith.constant 128 : i32
    %mul3A_86 = arith.muli %select_n3A_30, %mul3A_85 : i32
    %add3A_87 = vector.broadcast %mul3A_86 : i32 to vector<16xi32>
    %add3A_88 = arith.addi %scan3A_64#3, %add3A_87 : vector<16xi32>
    %mul3A_89 = arith.constant 1024 : i32
    %mul3A_90 = arith.muli %add3A, %mul3A_89 : i32
    %add3A_91 = vector.broadcast %mul3A_90 : i32 to vector<16xi32>
    %add3A_92 = arith.addi %add3A_88, %add3A_91 : vector<16xi32>
    %swap3A_93 = arith.constant 16 : index
    %swap3A_94 = tpu.vector_load %arg7[%swap3A_93] {strides = array<i32>} : memref<64xi32, #tpu.memory_space<vmem>>, vector<16xi32>,
    %swap3A_95 = vector.shape_cast %swap3A_94 : vector<16xi32> to vector<16xi32>
    %swap3A_96 = vector.shape_cast %add3A_92 : vector<16xi32> to vector<16xi32>
    tpu.vector_store %arg7[%swap3A_93], %swap3A_96 {strides = array<i32>} : memref<64xi32, #tpu.memory_space<vmem>>, vector<16xi32>,
    %swap3A_97 = arith.constant 32 : index
    %swap3A_98 = tpu.vector_load %arg6[%swap3A_97] {strides = array<i32>} : memref<128xf32, #tpu.memory_space<vmem>>, vector<16xf32>,
    %swap3A_99 = vector.shape_cast %swap3A_98 : vector<16xf32> to vector<16xf32>
    %swap3A_100 = vector.shape_cast %scan3A_64#4 : vector<16xf32> to vector<16xf32>
    tpu.vector_store %arg6[%swap3A_97], %swap3A_100 {strides = array<i32>} : memref<128xf32, #tpu.memory_space<vmem>>, vector<16xf32>,
    %mul3A_101 = arith.constant 128 : i32
    %mul3A_102 = arith.muli %select_n3A_30, %mul3A_101 : i32
    %add3A_103 = vector.broadcast %mul3A_102 : i32 to vector<16xi32>
    %add3A_104 = arith.addi %scan3A_64#5, %add3A_103 : vector<16xi32>
    %mul3A_105 = arith.constant 1024 : i32
    %mul3A_106 = arith.muli %add3A, %mul3A_105 : i32
    %add3A_107 = vector.broadcast %mul3A_106 : i32 to vector<16xi32>
    %add3A_108 = arith.addi %add3A_104, %add3A_107 : vector<16xi32>
    %swap3A_109 = arith.constant 32 : index
    %swap3A_110 = tpu.vector_load %arg7[%swap3A_109] {strides = array<i32>} : memref<64xi32, #tpu.memory_space<vmem>>, vector<16xi32>,
    %swap3A_111 = vector.shape_cast %swap3A_110 : vector<16xi32> to vector<16xi32>
    %swap3A_112 = vector.shape_cast %add3A_108 : vector<16xi32> to vector<16xi32>
    tpu.vector_store %arg7[%swap3A_109], %swap3A_112 {strides = array<i32>} : memref<64xi32, #tpu.memory_space<vmem>>, vector<16xi32>,
    %swap3A_113 = arith.constant 48 : index
    %swap3A_114 = tpu.vector_load %arg6[%swap3A_113] {strides = array<i32>} : memref<128xf32, #tpu.memory_space<vmem>>, vector<16xf32>,
    %swap3A_115 = vector.shape_cast %swap3A_114 : vector<16xf32> to vector<16xf32>
    %swap3A_116 = vector.shape_cast %scan3A_64#6 : vector<16xf32> to vector<16xf32>
    tpu.vector_store %arg6[%swap3A_113], %swap3A_116 {strides = array<i32>} : memref<128xf32, #tpu.memory_space<vmem>>, vector<16xf32>,
    %mul3A_117 = arith.constant 128 : i32
    %mul3A_118 = arith.muli %select_n3A_30, %mul3A_117 : i32
    %add3A_119 = vector.broadcast %mul3A_118 : i32 to vector<16xi32>
    %add3A_120 = arith.addi %scan3A_64#7, %add3A_119 : vector<16xi32>
    %mul3A_121 = arith.constant 1024 : i32
    %mul3A_122 = arith.muli %add3A, %mul3A_121 : i32
    %add3A_123 = vector.broadcast %mul3A_122 : i32 to vector<16xi32>
    %add3A_124 = arith.addi %add3A_120, %add3A_123 : vector<16xi32>
    %swap3A_125 = arith.constant 48 : index
    %swap3A_126 = tpu.vector_load %arg7[%swap3A_125] {strides = array<i32>} : memref<64xi32, #tpu.memory_space<vmem>>, vector<16xi32>,
    %swap3A_127 = vector.shape_cast %swap3A_126 : vector<16xi32> to vector<16xi32>
    %swap3A_128 = vector.shape_cast %add3A_124 : vector<16xi32> to vector<16xi32>
    tpu.vector_store %arg7[%swap3A_125], %swap3A_128 {strides = array<i32>} : memref<64xi32, #tpu.memory_space<vmem>>, vector<16xi32>,
    %dma_start3A_129 = arith.constant 0 : i32
    %dma_start3A_130 = arith.constant 0 : i32
    %dma_start3A_131 = tpu.memref_slice %arg3[%dma_start3A_129, %dma_start3A_130] : memref<4096x128xf32, #tpu.memory_space<hbm>> -> memref<4096x128xf32, #tpu.memory_space<hbm>>
    tpu.enqueue_indirect_dma source(%dma_start3A_131 : memref<4096x128xf32, #tpu.memory_space<hbm>>) target(%arg8 : memref<64x128xf32, #tpu.memory_space<vmem>>) offsets(%arg7 : memref<64xi32, #tpu.memory_space<vmem>>) semaphore(%arg10 : memref<!tpu.dma_semaphore, #tpu.memory_space<semaphore_mem>>)
    %dma_wait3A_132 = arith.constant 0 : i32
    %dma_wait3A_133 = arith.constant 0 : i32
    %dma_wait3A_134 = tpu.memref_slice %arg3[%dma_wait3A_132, %dma_wait3A_133] : memref<4096x128xf32, #tpu.memory_space<hbm>> -> memref<4096x128xf32, #tpu.memory_space<hbm>>
    tpu.wait_indirect_dma semaphore(%arg10 : memref<!tpu.dma_semaphore, #tpu.memory_space<semaphore_mem>>) src(%dma_wait3A_134 : memref<4096x128xf32, #tpu.memory_space<hbm>>) dst(%arg8 : memref<64x128xf32, #tpu.memory_space<vmem>>)
    %mul3A_135 = arith.constant 72 : i32
    %mul3A_136 = arith.muli %add3A_33, %mul3A_135 : i32
    "tpu.region"() ({
      %run_scoped3A = tpu.sem_alloc : memref<!tpu.dma_semaphore, #tpu.memory_space<semaphore_mem>>
      %dma_start3A_139 = arith.constant 0 : i32
      %dma_start3A_140 = tpu.memref_slice %arg4[%mul3A_136, %dma_start3A_139] : memref<2304x128xf32, #tpu.memory_space<hbm>> -> memref<64x128xf32, #tpu.memory_space<hbm>>
      %dma_start3A_141 = arith.constant 0 : i32
      %dma_start3A_142 = tpu.memref_slice %arg4[%mul3A_136, %dma_start3A_141] : memref<2304x128xf32, #tpu.memory_space<hbm>> -> memref<64x128xf32, #tpu.memory_space<hbm>>
      tpu.enqueue_dma source(%arg8 : memref<64x128xf32, #tpu.memory_space<vmem>>) target(%dma_start3A_142 : memref<64x128xf32, #tpu.memory_space<hbm>>) target_semaphore(%run_scoped3A : memref<!tpu.dma_semaphore, #tpu.memory_space<semaphore_mem>>)
      %dma_wait3A_143 = arith.constant 0 : i32
      %dma_wait3A_144 = tpu.memref_slice %arg4[%mul3A_136, %dma_wait3A_143] : memref<2304x128xf32, #tpu.memory_space<hbm>> -> memref<64x128xf32, #tpu.memory_space<hbm>>
      %dma_wait3A_145 = arith.constant 0 : i32
      %dma_wait3A_146 = tpu.memref_slice %arg4[%mul3A_136, %dma_wait3A_145] : memref<2304x128xf32, #tpu.memory_space<hbm>> -> memref<64x128xf32, #tpu.memory_space<hbm>>
      tpu.wait_dma2 semaphore(%run_scoped3A : memref<!tpu.dma_semaphore, #tpu.memory_space<semaphore_mem>>) src(%arg8 : memref<64x128xf32, #tpu.memory_space<vmem>>) dst(%dma_wait3A_146 : memref<64x128xf32, #tpu.memory_space<hbm>>)
      tpu.yield
    }) : () -> ()
    %add3A_137 = arith.constant 64 : i32
    %add3A_138 = arith.addi %mul3A_136, %add3A_137 : i32
    "tpu.region"() ({
      %run_scoped3A = tpu.sem_alloc : memref<!tpu.dma_semaphore, #tpu.memory_space<semaphore_mem>>
      %dma_start3A_139 = arith.constant 0 : i32
      %dma_start3A_140 = tpu.memref_slice %arg4[%add3A_138, %dma_start3A_139] : memref<2304x128xf32, #tpu.memory_space<hbm>> -> memref<1x128xf32, #tpu.memory_space<hbm>>
      %dma_start3A_141 = tpu.memref_squeeze %dma_start3A_140 : memref<1x128xf32, #tpu.memory_space<hbm>> -> memref<128xf32, #tpu.memory_space<hbm>>
      %dma_start3A_142 = arith.constant 0 : i32
      %dma_start3A_143 = tpu.memref_slice %arg4[%add3A_138, %dma_start3A_142] : memref<2304x128xf32, #tpu.memory_space<hbm>> -> memref<1x128xf32, #tpu.memory_space<hbm>>
      %dma_start3A_144 = tpu.memref_squeeze %dma_start3A_143 : memref<1x128xf32, #tpu.memory_space<hbm>> -> memref<128xf32, #tpu.memory_space<hbm>>
      tpu.enqueue_dma source(%arg6 : memref<128xf32, #tpu.memory_space<vmem>>) target(%dma_start3A_144 : memref<128xf32, #tpu.memory_space<hbm>>) target_semaphore(%run_scoped3A : memref<!tpu.dma_semaphore, #tpu.memory_space<semaphore_mem>>)
      %dma_wait3A_145 = arith.constant 0 : i32
      %dma_wait3A_146 = tpu.memref_slice %arg4[%add3A_138, %dma_wait3A_145] : memref<2304x128xf32, #tpu.memory_space<hbm>> -> memref<1x128xf32, #tpu.memory_space<hbm>>
      %dma_wait3A_147 = tpu.memref_squeeze %dma_wait3A_146 : memref<1x128xf32, #tpu.memory_space<hbm>> -> memref<128xf32, #tpu.memory_space<hbm>>
      %dma_wait3A_148 = arith.constant 0 : i32
      %dma_wait3A_149 = tpu.memref_slice %arg4[%add3A_138, %dma_wait3A_148] : memref<2304x128xf32, #tpu.memory_space<hbm>> -> memref<1x128xf32, #tpu.memory_space<hbm>>
      %dma_wait3A_150 = tpu.memref_squeeze %dma_wait3A_149 : memref<1x128xf32, #tpu.memory_space<hbm>> -> memref<128xf32, #tpu.memory_space<hbm>>
      tpu.wait_dma2 semaphore(%run_scoped3A : memref<!tpu.dma_semaphore, #tpu.memory_space<semaphore_mem>>) src(%arg6 : memref<128xf32, #tpu.memory_space<vmem>>) dst(%dma_wait3A_150 : memref<128xf32, #tpu.memory_space<hbm>>)
      tpu.yield
    }) : () -> ()
    return
  }
}

module attributes {stable_mosaic.version = 14 : i64} {
  func.func @_stage_c_body(%arg0: memref<4x64x1024xf32, #tpu.memory_space<vmem>>, %arg1: memref<4x8x72x128xf32, #tpu.memory_space<vmem>>, %arg2: memref<4x96x1024xf32, #tpu.memory_space<vmem>>) attributes {dimension_semantics = [], scalar_prefetch = 0 : i64, scratch_operands = 0 : i64, tpu.core_type = #tpu.core_type<tc>} {
    %get3A = arith.constant 0 : index
    %get3A_0 = arith.constant 0 : index
    %get3A_1 = arith.constant 0 : index
    %get3A_2 = vector.load %arg0[%get3A, %get3A_0, %get3A_1] : memref<4x64x1024xf32, #tpu.memory_space<vmem>>, vector<1x64x1024xf32>
    %get3A_3 = vector.shape_cast %get3A_2 : vector<1x64x1024xf32> to vector<64x1024xf32>
    %get3A_4 = arith.constant 0 : index
    %get3A_5 = arith.constant 0 : index
    %get3A_6 = arith.constant 64 : index
    %get3A_7 = arith.constant 0 : index
    %get3A_8 = vector.load %arg1[%get3A_4, %get3A_5, %get3A_6, %get3A_7] : memref<4x8x72x128xf32, #tpu.memory_space<vmem>>, vector<1x8x1x64xf32>
    %get3A_9 = vector.shape_cast %get3A_8 : vector<1x8x1x64xf32> to vector<8x64xf32>
    %transpose3A = tpu.transpose %get3A_9, [1, 0] : vector<8x64xf32> -> vector<64x8xf32>
    %reduce_max3A = arith.constant dense<0xFF800000> : vector<64xf32>
    %reduce_max3A_10 = vector.multi_reduction <maximumf>, %transpose3A, %reduce_max3A [1] : vector<64x8xf32> to vector<64xf32>
    %broadcast_in_dim3A = vector.shape_cast %reduce_max3A_10 : vector<64xf32> to vector<64x1xf32>
    %eq3A = vector.broadcast %broadcast_in_dim3A : vector<64x1xf32> to vector<64x8xf32>
    %eq3A_11 = arith.cmpf oeq, %transpose3A, %eq3A : vector<64x8xf32>
    %broadcast_in_dim3A_12 = arith.constant false
    %broadcast_in_dim3A_13 = vector.broadcast %broadcast_in_dim3A_12 : i1 to vector<64x1xi1>
    %broadcast_in_dim3A_14 = arith.constant 0.000000e+00 : f32
    %broadcast_in_dim3A_15 = vector.broadcast %broadcast_in_dim3A_14 : f32 to vector<64x128xf32>
    %slice3A = vector.extract_strided_slice %eq3A_11 {offsets = [0, 0], sizes = [64, 1], strides = [1, 1]} : vector<64x8xi1> to vector<64x1xi1>
    %not3A = arith.constant dense<true> : vector<64x1xi1>
    %not3A_16 = arith.xori %broadcast_in_dim3A_13, %not3A : vector<64x1xi1>
    %and3A = arith.andi %slice3A, %not3A_16 : vector<64x1xi1>
    %or3A = arith.ori %broadcast_in_dim3A_13, %and3A : vector<64x1xi1>
    %get3A_17 = arith.constant 0 : index
    %get3A_18 = arith.constant 0 : index
    %get3A_19 = arith.constant 0 : index
    %get3A_20 = arith.constant 0 : index
    %get3A_21 = vector.load %arg1[%get3A_17, %get3A_18, %get3A_19, %get3A_20] : memref<4x8x72x128xf32, #tpu.memory_space<vmem>>, vector<1x1x64x128xf32>
    %get3A_22 = vector.shape_cast %get3A_21 : vector<1x1x64x128xf32> to vector<64x128xf32>
    %jit3A = arith.constant 0.000000e+00 : f32
    %broadcast_in_dim3A_23 = vector.shape_cast %and3A : vector<64x1xi1> to vector<64x1xi1>
    %broadcast_in_dim3A_24 = vector.broadcast %broadcast_in_dim3A_23 : vector<64x1xi1> to vector<64x128xi1>
    %broadcast_in_dim3A_25 = vector.broadcast %jit3A : f32 to vector<64x128xf32>
    %select_n3A = arith.select %broadcast_in_dim3A_24, %get3A_22, %broadcast_in_dim3A_25 : vector<64x128xi1>, vector<64x128xf32>
    %add3A = arith.addf %broadcast_in_dim3A_15, %select_n3A : vector<64x128xf32>
    %slice3A_26 = vector.extract_strided_slice %eq3A_11 {offsets = [0, 1], sizes = [64, 1], strides = [1, 1]} : vector<64x8xi1> to vector<64x1xi1>
    %not3A_27 = arith.constant dense<true> : vector<64x1xi1>
    %not3A_28 = arith.xori %or3A, %not3A_27 : vector<64x1xi1>
    %and3A_29 = arith.andi %slice3A_26, %not3A_28 : vector<64x1xi1>
    %or3A_30 = arith.ori %or3A, %and3A_29 : vector<64x1xi1>
    %get3A_31 = arith.constant 0 : index
    %get3A_32 = arith.constant 1 : index
    %get3A_33 = arith.constant 0 : index
    %get3A_34 = arith.constant 0 : index
    %get3A_35 = vector.load %arg1[%get3A_31, %get3A_32, %get3A_33, %get3A_34] : memref<4x8x72x128xf32, #tpu.memory_space<vmem>>, vector<1x1x64x128xf32>
    %get3A_36 = vector.shape_cast %get3A_35 : vector<1x1x64x128xf32> to vector<64x128xf32>
    %jit3A_37 = arith.constant 0.000000e+00 : f32
    %broadcast_in_dim3A_38 = vector.shape_cast %and3A_29 : vector<64x1xi1> to vector<64x1xi1>
    %broadcast_in_dim3A_39 = vector.broadcast %broadcast_in_dim3A_38 : vector<64x1xi1> to vector<64x128xi1>
    %broadcast_in_dim3A_40 = vector.broadcast %jit3A_37 : f32 to vector<64x128xf32>
    %select_n3A_41 = arith.select %broadcast_in_dim3A_39, %get3A_36, %broadcast_in_dim3A_40 : vector<64x128xi1>, vector<64x128xf32>
    %add3A_42 = arith.addf %add3A, %select_n3A_41 : vector<64x128xf32>
    %slice3A_43 = vector.extract_strided_slice %eq3A_11 {offsets = [0, 2], sizes = [64, 1], strides = [1, 1]} : vector<64x8xi1> to vector<64x1xi1>
    %not3A_44 = arith.constant dense<true> : vector<64x1xi1>
    %not3A_45 = arith.xori %or3A_30, %not3A_44 : vector<64x1xi1>
    %and3A_46 = arith.andi %slice3A_43, %not3A_45 : vector<64x1xi1>
    %or3A_47 = arith.ori %or3A_30, %and3A_46 : vector<64x1xi1>
    %get3A_48 = arith.constant 0 : index
    %get3A_49 = arith.constant 2 : index
    %get3A_50 = arith.constant 0 : index
    %get3A_51 = arith.constant 0 : index
    %get3A_52 = vector.load %arg1[%get3A_48, %get3A_49, %get3A_50, %get3A_51] : memref<4x8x72x128xf32, #tpu.memory_space<vmem>>, vector<1x1x64x128xf32>
    %get3A_53 = vector.shape_cast %get3A_52 : vector<1x1x64x128xf32> to vector<64x128xf32>
    %jit3A_54 = arith.constant 0.000000e+00 : f32
    %broadcast_in_dim3A_55 = vector.shape_cast %and3A_46 : vector<64x1xi1> to vector<64x1xi1>
    %broadcast_in_dim3A_56 = vector.broadcast %broadcast_in_dim3A_55 : vector<64x1xi1> to vector<64x128xi1>
    %broadcast_in_dim3A_57 = vector.broadcast %jit3A_54 : f32 to vector<64x128xf32>
    %select_n3A_58 = arith.select %broadcast_in_dim3A_56, %get3A_53, %broadcast_in_dim3A_57 : vector<64x128xi1>, vector<64x128xf32>
    %add3A_59 = arith.addf %add3A_42, %select_n3A_58 : vector<64x128xf32>
    %slice3A_60 = vector.extract_strided_slice %eq3A_11 {offsets = [0, 3], sizes = [64, 1], strides = [1, 1]} : vector<64x8xi1> to vector<64x1xi1>
    %not3A_61 = arith.constant dense<true> : vector<64x1xi1>
    %not3A_62 = arith.xori %or3A_47, %not3A_61 : vector<64x1xi1>
    %and3A_63 = arith.andi %slice3A_60, %not3A_62 : vector<64x1xi1>
    %or3A_64 = arith.ori %or3A_47, %and3A_63 : vector<64x1xi1>
    %get3A_65 = arith.constant 0 : index
    %get3A_66 = arith.constant 3 : index
    %get3A_67 = arith.constant 0 : index
    %get3A_68 = arith.constant 0 : index
    %get3A_69 = vector.load %arg1[%get3A_65, %get3A_66, %get3A_67, %get3A_68] : memref<4x8x72x128xf32, #tpu.memory_space<vmem>>, vector<1x1x64x128xf32>
    %get3A_70 = vector.shape_cast %get3A_69 : vector<1x1x64x128xf32> to vector<64x128xf32>
    %jit3A_71 = arith.constant 0.000000e+00 : f32
    %broadcast_in_dim3A_72 = vector.shape_cast %and3A_63 : vector<64x1xi1> to vector<64x1xi1>
    %broadcast_in_dim3A_73 = vector.broadcast %broadcast_in_dim3A_72 : vector<64x1xi1> to vector<64x128xi1>
    %broadcast_in_dim3A_74 = vector.broadcast %jit3A_71 : f32 to vector<64x128xf32>
    %select_n3A_75 = arith.select %broadcast_in_dim3A_73, %get3A_70, %broadcast_in_dim3A_74 : vector<64x128xi1>, vector<64x128xf32>
    %add3A_76 = arith.addf %add3A_59, %select_n3A_75 : vector<64x128xf32>
    %slice3A_77 = vector.extract_strided_slice %eq3A_11 {offsets = [0, 4], sizes = [64, 1], strides = [1, 1]} : vector<64x8xi1> to vector<64x1xi1>
    %not3A_78 = arith.constant dense<true> : vector<64x1xi1>
    %not3A_79 = arith.xori %or3A_64, %not3A_78 : vector<64x1xi1>
    %and3A_80 = arith.andi %slice3A_77, %not3A_79 : vector<64x1xi1>
    %or3A_81 = arith.ori %or3A_64, %and3A_80 : vector<64x1xi1>
    %get3A_82 = arith.constant 0 : index
    %get3A_83 = arith.constant 4 : index
    %get3A_84 = arith.constant 0 : index
    %get3A_85 = arith.constant 0 : index
    %get3A_86 = vector.load %arg1[%get3A_82, %get3A_83, %get3A_84, %get3A_85] : memref<4x8x72x128xf32, #tpu.memory_space<vmem>>, vector<1x1x64x128xf32>
    %get3A_87 = vector.shape_cast %get3A_86 : vector<1x1x64x128xf32> to vector<64x128xf32>
    %jit3A_88 = arith.constant 0.000000e+00 : f32
    %broadcast_in_dim3A_89 = vector.shape_cast %and3A_80 : vector<64x1xi1> to vector<64x1xi1>
    %broadcast_in_dim3A_90 = vector.broadcast %broadcast_in_dim3A_89 : vector<64x1xi1> to vector<64x128xi1>
    %broadcast_in_dim3A_91 = vector.broadcast %jit3A_88 : f32 to vector<64x128xf32>
    %select_n3A_92 = arith.select %broadcast_in_dim3A_90, %get3A_87, %broadcast_in_dim3A_91 : vector<64x128xi1>, vector<64x128xf32>
    %add3A_93 = arith.addf %add3A_76, %select_n3A_92 : vector<64x128xf32>
    %slice3A_94 = vector.extract_strided_slice %eq3A_11 {offsets = [0, 5], sizes = [64, 1], strides = [1, 1]} : vector<64x8xi1> to vector<64x1xi1>
    %not3A_95 = arith.constant dense<true> : vector<64x1xi1>
    %not3A_96 = arith.xori %or3A_81, %not3A_95 : vector<64x1xi1>
    %and3A_97 = arith.andi %slice3A_94, %not3A_96 : vector<64x1xi1>
    %or3A_98 = arith.ori %or3A_81, %and3A_97 : vector<64x1xi1>
    %get3A_99 = arith.constant 0 : index
    %get3A_100 = arith.constant 5 : index
    %get3A_101 = arith.constant 0 : index
    %get3A_102 = arith.constant 0 : index
    %get3A_103 = vector.load %arg1[%get3A_99, %get3A_100, %get3A_101, %get3A_102] : memref<4x8x72x128xf32, #tpu.memory_space<vmem>>, vector<1x1x64x128xf32>
    %get3A_104 = vector.shape_cast %get3A_103 : vector<1x1x64x128xf32> to vector<64x128xf32>
    %jit3A_105 = arith.constant 0.000000e+00 : f32
    %broadcast_in_dim3A_106 = vector.shape_cast %and3A_97 : vector<64x1xi1> to vector<64x1xi1>
    %broadcast_in_dim3A_107 = vector.broadcast %broadcast_in_dim3A_106 : vector<64x1xi1> to vector<64x128xi1>
    %broadcast_in_dim3A_108 = vector.broadcast %jit3A_105 : f32 to vector<64x128xf32>
    %select_n3A_109 = arith.select %broadcast_in_dim3A_107, %get3A_104, %broadcast_in_dim3A_108 : vector<64x128xi1>, vector<64x128xf32>
    %add3A_110 = arith.addf %add3A_93, %select_n3A_109 : vector<64x128xf32>
    %slice3A_111 = vector.extract_strided_slice %eq3A_11 {offsets = [0, 6], sizes = [64, 1], strides = [1, 1]} : vector<64x8xi1> to vector<64x1xi1>
    %not3A_112 = arith.constant dense<true> : vector<64x1xi1>
    %not3A_113 = arith.xori %or3A_98, %not3A_112 : vector<64x1xi1>
    %and3A_114 = arith.andi %slice3A_111, %not3A_113 : vector<64x1xi1>
    %or3A_115 = arith.ori %or3A_98, %and3A_114 : vector<64x1xi1>
    %get3A_116 = arith.constant 0 : index
    %get3A_117 = arith.constant 6 : index
    %get3A_118 = arith.constant 0 : index
    %get3A_119 = arith.constant 0 : index
    %get3A_120 = vector.load %arg1[%get3A_116, %get3A_117, %get3A_118, %get3A_119] : memref<4x8x72x128xf32, #tpu.memory_space<vmem>>, vector<1x1x64x128xf32>
    %get3A_121 = vector.shape_cast %get3A_120 : vector<1x1x64x128xf32> to vector<64x128xf32>
    %jit3A_122 = arith.constant 0.000000e+00 : f32
    %broadcast_in_dim3A_123 = vector.shape_cast %and3A_114 : vector<64x1xi1> to vector<64x1xi1>
    %broadcast_in_dim3A_124 = vector.broadcast %broadcast_in_dim3A_123 : vector<64x1xi1> to vector<64x128xi1>
    %broadcast_in_dim3A_125 = vector.broadcast %jit3A_122 : f32 to vector<64x128xf32>
    %select_n3A_126 = arith.select %broadcast_in_dim3A_124, %get3A_121, %broadcast_in_dim3A_125 : vector<64x128xi1>, vector<64x128xf32>
    %add3A_127 = arith.addf %add3A_110, %select_n3A_126 : vector<64x128xf32>
    %slice3A_128 = vector.extract_strided_slice %eq3A_11 {offsets = [0, 7], sizes = [64, 1], strides = [1, 1]} : vector<64x8xi1> to vector<64x1xi1>
    %not3A_129 = arith.constant dense<true> : vector<64x1xi1>
    %not3A_130 = arith.xori %or3A_115, %not3A_129 : vector<64x1xi1>
    %and3A_131 = arith.andi %slice3A_128, %not3A_130 : vector<64x1xi1>
    %get3A_132 = arith.constant 0 : index
    %get3A_133 = arith.constant 7 : index
    %get3A_134 = arith.constant 0 : index
    %get3A_135 = arith.constant 0 : index
    %get3A_136 = vector.load %arg1[%get3A_132, %get3A_133, %get3A_134, %get3A_135] : memref<4x8x72x128xf32, #tpu.memory_space<vmem>>, vector<1x1x64x128xf32>
    %get3A_137 = vector.shape_cast %get3A_136 : vector<1x1x64x128xf32> to vector<64x128xf32>
    %jit3A_138 = arith.constant 0.000000e+00 : f32
    %broadcast_in_dim3A_139 = vector.shape_cast %and3A_131 : vector<64x1xi1> to vector<64x1xi1>
    %broadcast_in_dim3A_140 = vector.broadcast %broadcast_in_dim3A_139 : vector<64x1xi1> to vector<64x128xi1>
    %broadcast_in_dim3A_141 = vector.broadcast %jit3A_138 : f32 to vector<64x128xf32>
    %select_n3A_142 = arith.select %broadcast_in_dim3A_140, %get3A_137, %broadcast_in_dim3A_141 : vector<64x128xi1>, vector<64x128xf32>
    %add3A_143 = arith.addf %add3A_127, %select_n3A_142 : vector<64x128xf32>
    %dot_general3A = arith.constant dense<0.000000e+00> : vector<128x1024xf32>
    %dot_general3A_144 = tpu.matmul %add3A_143, %get3A_3, %dot_general3A {dimension_numbers = #tpu.dot_dimension_numbers<[0], [0], [1], [1], [0, 1, 1, 1], [], []>, transpose_lhs_hint = false} : vector<64x128xf32>, vector<64x1024xf32>, vector<128x1024xf32> -> vector<128x1024xf32>
    %slice3A_145 = vector.extract_strided_slice %dot_general3A_144 {offsets = [0, 0], sizes = [96, 1024], strides = [1, 1]} : vector<128x1024xf32> to vector<96x1024xf32>
    %swap3A = arith.constant 0 : index
    %swap3A_146 = arith.constant 0 : index
    %swap3A_147 = arith.constant 0 : index
    %swap3A_148 = vector.load %arg2[%swap3A, %swap3A_146, %swap3A_147] : memref<4x96x1024xf32, #tpu.memory_space<vmem>>, vector<1x96x1024xf32>
    %swap3A_149 = vector.shape_cast %swap3A_148 : vector<1x96x1024xf32> to vector<96x1024xf32>
    %swap3A_150 = vector.shape_cast %slice3A_145 : vector<96x1024xf32> to vector<1x96x1024xf32>
    tpu.vector_store %arg2[%swap3A, %swap3A_146, %swap3A_147], %swap3A_150 {strides = array<i32>} : memref<4x96x1024xf32, #tpu.memory_space<vmem>>, vector<1x96x1024xf32>,
    %get3A_151 = arith.constant 1 : index
    %get3A_152 = arith.constant 0 : index
    %get3A_153 = arith.constant 0 : index
    %get3A_154 = vector.load %arg0[%get3A_151, %get3A_152, %get3A_153] : memref<4x64x1024xf32, #tpu.memory_space<vmem>>, vector<1x64x1024xf32>
    %get3A_155 = vector.shape_cast %get3A_154 : vector<1x64x1024xf32> to vector<64x1024xf32>
    %get3A_156 = arith.constant 1 : index
    %get3A_157 = arith.constant 0 : index
    %get3A_158 = arith.constant 64 : index
    %get3A_159 = arith.constant 0 : index
    %get3A_160 = vector.load %arg1[%get3A_156, %get3A_157, %get3A_158, %get3A_159] : memref<4x8x72x128xf32, #tpu.memory_space<vmem>>, vector<1x8x1x64xf32>
    %get3A_161 = vector.shape_cast %get3A_160 : vector<1x8x1x64xf32> to vector<8x64xf32>
    %transpose3A_162 = tpu.transpose %get3A_161, [1, 0] : vector<8x64xf32> -> vector<64x8xf32>
    %reduce_max3A_163 = arith.constant dense<0xFF800000> : vector<64xf32>
    %reduce_max3A_164 = vector.multi_reduction <maximumf>, %transpose3A_162, %reduce_max3A_163 [1] : vector<64x8xf32> to vector<64xf32>
    %broadcast_in_dim3A_165 = vector.shape_cast %reduce_max3A_164 : vector<64xf32> to vector<64x1xf32>
    %eq3A_166 = vector.broadcast %broadcast_in_dim3A_165 : vector<64x1xf32> to vector<64x8xf32>
    %eq3A_167 = arith.cmpf oeq, %transpose3A_162, %eq3A_166 : vector<64x8xf32>
    %broadcast_in_dim3A_168 = arith.constant false
    %broadcast_in_dim3A_169 = vector.broadcast %broadcast_in_dim3A_168 : i1 to vector<64x1xi1>
    %broadcast_in_dim3A_170 = arith.constant 0.000000e+00 : f32
    %broadcast_in_dim3A_171 = vector.broadcast %broadcast_in_dim3A_170 : f32 to vector<64x128xf32>
    %slice3A_172 = vector.extract_strided_slice %eq3A_167 {offsets = [0, 0], sizes = [64, 1], strides = [1, 1]} : vector<64x8xi1> to vector<64x1xi1>
    %not3A_173 = arith.constant dense<true> : vector<64x1xi1>
    %not3A_174 = arith.xori %broadcast_in_dim3A_169, %not3A_173 : vector<64x1xi1>
    %and3A_175 = arith.andi %slice3A_172, %not3A_174 : vector<64x1xi1>
    %or3A_176 = arith.ori %broadcast_in_dim3A_169, %and3A_175 : vector<64x1xi1>
    %get3A_177 = arith.constant 1 : index
    %get3A_178 = arith.constant 0 : index
    %get3A_179 = arith.constant 0 : index
    %get3A_180 = arith.constant 0 : index
    %get3A_181 = vector.load %arg1[%get3A_177, %get3A_178, %get3A_179, %get3A_180] : memref<4x8x72x128xf32, #tpu.memory_space<vmem>>, vector<1x1x64x128xf32>
    %get3A_182 = vector.shape_cast %get3A_181 : vector<1x1x64x128xf32> to vector<64x128xf32>
    %jit3A_183 = arith.constant 0.000000e+00 : f32
    %broadcast_in_dim3A_184 = vector.shape_cast %and3A_175 : vector<64x1xi1> to vector<64x1xi1>
    %broadcast_in_dim3A_185 = vector.broadcast %broadcast_in_dim3A_184 : vector<64x1xi1> to vector<64x128xi1>
    %broadcast_in_dim3A_186 = vector.broadcast %jit3A_183 : f32 to vector<64x128xf32>
    %select_n3A_187 = arith.select %broadcast_in_dim3A_185, %get3A_182, %broadcast_in_dim3A_186 : vector<64x128xi1>, vector<64x128xf32>
    %add3A_188 = arith.addf %broadcast_in_dim3A_171, %select_n3A_187 : vector<64x128xf32>
    %slice3A_189 = vector.extract_strided_slice %eq3A_167 {offsets = [0, 1], sizes = [64, 1], strides = [1, 1]} : vector<64x8xi1> to vector<64x1xi1>
    %not3A_190 = arith.constant dense<true> : vector<64x1xi1>
    %not3A_191 = arith.xori %or3A_176, %not3A_190 : vector<64x1xi1>
    %and3A_192 = arith.andi %slice3A_189, %not3A_191 : vector<64x1xi1>
    %or3A_193 = arith.ori %or3A_176, %and3A_192 : vector<64x1xi1>
    %get3A_194 = arith.constant 1 : index
    %get3A_195 = arith.constant 1 : index
    %get3A_196 = arith.constant 0 : index
    %get3A_197 = arith.constant 0 : index
    %get3A_198 = vector.load %arg1[%get3A_194, %get3A_195, %get3A_196, %get3A_197] : memref<4x8x72x128xf32, #tpu.memory_space<vmem>>, vector<1x1x64x128xf32>
    %get3A_199 = vector.shape_cast %get3A_198 : vector<1x1x64x128xf32> to vector<64x128xf32>
    %jit3A_200 = arith.constant 0.000000e+00 : f32
    %broadcast_in_dim3A_201 = vector.shape_cast %and3A_192 : vector<64x1xi1> to vector<64x1xi1>
    %broadcast_in_dim3A_202 = vector.broadcast %broadcast_in_dim3A_201 : vector<64x1xi1> to vector<64x128xi1>
    %broadcast_in_dim3A_203 = vector.broadcast %jit3A_200 : f32 to vector<64x128xf32>
    %select_n3A_204 = arith.select %broadcast_in_dim3A_202, %get3A_199, %broadcast_in_dim3A_203 : vector<64x128xi1>, vector<64x128xf32>
    %add3A_205 = arith.addf %add3A_188, %select_n3A_204 : vector<64x128xf32>
    %slice3A_206 = vector.extract_strided_slice %eq3A_167 {offsets = [0, 2], sizes = [64, 1], strides = [1, 1]} : vector<64x8xi1> to vector<64x1xi1>
    %not3A_207 = arith.constant dense<true> : vector<64x1xi1>
    %not3A_208 = arith.xori %or3A_193, %not3A_207 : vector<64x1xi1>
    %and3A_209 = arith.andi %slice3A_206, %not3A_208 : vector<64x1xi1>
    %or3A_210 = arith.ori %or3A_193, %and3A_209 : vector<64x1xi1>
    %get3A_211 = arith.constant 1 : index
    %get3A_212 = arith.constant 2 : index
    %get3A_213 = arith.constant 0 : index
    %get3A_214 = arith.constant 0 : index
    %get3A_215 = vector.load %arg1[%get3A_211, %get3A_212, %get3A_213, %get3A_214] : memref<4x8x72x128xf32, #tpu.memory_space<vmem>>, vector<1x1x64x128xf32>
    %get3A_216 = vector.shape_cast %get3A_215 : vector<1x1x64x128xf32> to vector<64x128xf32>
    %jit3A_217 = arith.constant 0.000000e+00 : f32
    %broadcast_in_dim3A_218 = vector.shape_cast %and3A_209 : vector<64x1xi1> to vector<64x1xi1>
    %broadcast_in_dim3A_219 = vector.broadcast %broadcast_in_dim3A_218 : vector<64x1xi1> to vector<64x128xi1>
    %broadcast_in_dim3A_220 = vector.broadcast %jit3A_217 : f32 to vector<64x128xf32>
    %select_n3A_221 = arith.select %broadcast_in_dim3A_219, %get3A_216, %broadcast_in_dim3A_220 : vector<64x128xi1>, vector<64x128xf32>
    %add3A_222 = arith.addf %add3A_205, %select_n3A_221 : vector<64x128xf32>
    %slice3A_223 = vector.extract_strided_slice %eq3A_167 {offsets = [0, 3], sizes = [64, 1], strides = [1, 1]} : vector<64x8xi1> to vector<64x1xi1>
    %not3A_224 = arith.constant dense<true> : vector<64x1xi1>
    %not3A_225 = arith.xori %or3A_210, %not3A_224 : vector<64x1xi1>
    %and3A_226 = arith.andi %slice3A_223, %not3A_225 : vector<64x1xi1>
    %or3A_227 = arith.ori %or3A_210, %and3A_226 : vector<64x1xi1>
    %get3A_228 = arith.constant 1 : index
    %get3A_229 = arith.constant 3 : index
    %get3A_230 = arith.constant 0 : index
    %get3A_231 = arith.constant 0 : index
    %get3A_232 = vector.load %arg1[%get3A_228, %get3A_229, %get3A_230, %get3A_231] : memref<4x8x72x128xf32, #tpu.memory_space<vmem>>, vector<1x1x64x128xf32>
    %get3A_233 = vector.shape_cast %get3A_232 : vector<1x1x64x128xf32> to vector<64x128xf32>
    %jit3A_234 = arith.constant 0.000000e+00 : f32
    %broadcast_in_dim3A_235 = vector.shape_cast %and3A_226 : vector<64x1xi1> to vector<64x1xi1>
    %broadcast_in_dim3A_236 = vector.broadcast %broadcast_in_dim3A_235 : vector<64x1xi1> to vector<64x128xi1>
    %broadcast_in_dim3A_237 = vector.broadcast %jit3A_234 : f32 to vector<64x128xf32>
    %select_n3A_238 = arith.select %broadcast_in_dim3A_236, %get3A_233, %broadcast_in_dim3A_237 : vector<64x128xi1>, vector<64x128xf32>
    %add3A_239 = arith.addf %add3A_222, %select_n3A_238 : vector<64x128xf32>
    %slice3A_240 = vector.extract_strided_slice %eq3A_167 {offsets = [0, 4], sizes = [64, 1], strides = [1, 1]} : vector<64x8xi1> to vector<64x1xi1>
    %not3A_241 = arith.constant dense<true> : vector<64x1xi1>
    %not3A_242 = arith.xori %or3A_227, %not3A_241 : vector<64x1xi1>
    %and3A_243 = arith.andi %slice3A_240, %not3A_242 : vector<64x1xi1>
    %or3A_244 = arith.ori %or3A_227, %and3A_243 : vector<64x1xi1>
    %get3A_245 = arith.constant 1 : index
    %get3A_246 = arith.constant 4 : index
    %get3A_247 = arith.constant 0 : index
    %get3A_248 = arith.constant 0 : index
    %get3A_249 = vector.load %arg1[%get3A_245, %get3A_246, %get3A_247, %get3A_248] : memref<4x8x72x128xf32, #tpu.memory_space<vmem>>, vector<1x1x64x128xf32>
    %get3A_250 = vector.shape_cast %get3A_249 : vector<1x1x64x128xf32> to vector<64x128xf32>
    %jit3A_251 = arith.constant 0.000000e+00 : f32
    %broadcast_in_dim3A_252 = vector.shape_cast %and3A_243 : vector<64x1xi1> to vector<64x1xi1>
    %broadcast_in_dim3A_253 = vector.broadcast %broadcast_in_dim3A_252 : vector<64x1xi1> to vector<64x128xi1>
    %broadcast_in_dim3A_254 = vector.broadcast %jit3A_251 : f32 to vector<64x128xf32>
    %select_n3A_255 = arith.select %broadcast_in_dim3A_253, %get3A_250, %broadcast_in_dim3A_254 : vector<64x128xi1>, vector<64x128xf32>
    %add3A_256 = arith.addf %add3A_239, %select_n3A_255 : vector<64x128xf32>
    %slice3A_257 = vector.extract_strided_slice %eq3A_167 {offsets = [0, 5], sizes = [64, 1], strides = [1, 1]} : vector<64x8xi1> to vector<64x1xi1>
    %not3A_258 = arith.constant dense<true> : vector<64x1xi1>
    %not3A_259 = arith.xori %or3A_244, %not3A_258 : vector<64x1xi1>
    %and3A_260 = arith.andi %slice3A_257, %not3A_259 : vector<64x1xi1>
    %or3A_261 = arith.ori %or3A_244, %and3A_260 : vector<64x1xi1>
    %get3A_262 = arith.constant 1 : index
    %get3A_263 = arith.constant 5 : index
    %get3A_264 = arith.constant 0 : index
    %get3A_265 = arith.constant 0 : index
    %get3A_266 = vector.load %arg1[%get3A_262, %get3A_263, %get3A_264, %get3A_265] : memref<4x8x72x128xf32, #tpu.memory_space<vmem>>, vector<1x1x64x128xf32>
    %get3A_267 = vector.shape_cast %get3A_266 : vector<1x1x64x128xf32> to vector<64x128xf32>
    %jit3A_268 = arith.constant 0.000000e+00 : f32
    %broadcast_in_dim3A_269 = vector.shape_cast %and3A_260 : vector<64x1xi1> to vector<64x1xi1>
    %broadcast_in_dim3A_270 = vector.broadcast %broadcast_in_dim3A_269 : vector<64x1xi1> to vector<64x128xi1>
    %broadcast_in_dim3A_271 = vector.broadcast %jit3A_268 : f32 to vector<64x128xf32>
    %select_n3A_272 = arith.select %broadcast_in_dim3A_270, %get3A_267, %broadcast_in_dim3A_271 : vector<64x128xi1>, vector<64x128xf32>
    %add3A_273 = arith.addf %add3A_256, %select_n3A_272 : vector<64x128xf32>
    %slice3A_274 = vector.extract_strided_slice %eq3A_167 {offsets = [0, 6], sizes = [64, 1], strides = [1, 1]} : vector<64x8xi1> to vector<64x1xi1>
    %not3A_275 = arith.constant dense<true> : vector<64x1xi1>
    %not3A_276 = arith.xori %or3A_261, %not3A_275 : vector<64x1xi1>
    %and3A_277 = arith.andi %slice3A_274, %not3A_276 : vector<64x1xi1>
    %or3A_278 = arith.ori %or3A_261, %and3A_277 : vector<64x1xi1>
    %get3A_279 = arith.constant 1 : index
    %get3A_280 = arith.constant 6 : index
    %get3A_281 = arith.constant 0 : index
    %get3A_282 = arith.constant 0 : index
    %get3A_283 = vector.load %arg1[%get3A_279, %get3A_280, %get3A_281, %get3A_282] : memref<4x8x72x128xf32, #tpu.memory_space<vmem>>, vector<1x1x64x128xf32>
    %get3A_284 = vector.shape_cast %get3A_283 : vector<1x1x64x128xf32> to vector<64x128xf32>
    %jit3A_285 = arith.constant 0.000000e+00 : f32
    %broadcast_in_dim3A_286 = vector.shape_cast %and3A_277 : vector<64x1xi1> to vector<64x1xi1>
    %broadcast_in_dim3A_287 = vector.broadcast %broadcast_in_dim3A_286 : vector<64x1xi1> to vector<64x128xi1>
    %broadcast_in_dim3A_288 = vector.broadcast %jit3A_285 : f32 to vector<64x128xf32>
    %select_n3A_289 = arith.select %broadcast_in_dim3A_287, %get3A_284, %broadcast_in_dim3A_288 : vector<64x128xi1>, vector<64x128xf32>
    %add3A_290 = arith.addf %add3A_273, %select_n3A_289 : vector<64x128xf32>
    %slice3A_291 = vector.extract_strided_slice %eq3A_167 {offsets = [0, 7], sizes = [64, 1], strides = [1, 1]} : vector<64x8xi1> to vector<64x1xi1>
    %not3A_292 = arith.constant dense<true> : vector<64x1xi1>
    %not3A_293 = arith.xori %or3A_278, %not3A_292 : vector<64x1xi1>
    %and3A_294 = arith.andi %slice3A_291, %not3A_293 : vector<64x1xi1>
    %get3A_295 = arith.constant 1 : index
    %get3A_296 = arith.constant 7 : index
    %get3A_297 = arith.constant 0 : index
    %get3A_298 = arith.constant 0 : index
    %get3A_299 = vector.load %arg1[%get3A_295, %get3A_296, %get3A_297, %get3A_298] : memref<4x8x72x128xf32, #tpu.memory_space<vmem>>, vector<1x1x64x128xf32>
    %get3A_300 = vector.shape_cast %get3A_299 : vector<1x1x64x128xf32> to vector<64x128xf32>
    %jit3A_301 = arith.constant 0.000000e+00 : f32
    %broadcast_in_dim3A_302 = vector.shape_cast %and3A_294 : vector<64x1xi1> to vector<64x1xi1>
    %broadcast_in_dim3A_303 = vector.broadcast %broadcast_in_dim3A_302 : vector<64x1xi1> to vector<64x128xi1>
    %broadcast_in_dim3A_304 = vector.broadcast %jit3A_301 : f32 to vector<64x128xf32>
    %select_n3A_305 = arith.select %broadcast_in_dim3A_303, %get3A_300, %broadcast_in_dim3A_304 : vector<64x128xi1>, vector<64x128xf32>
    %add3A_306 = arith.addf %add3A_290, %select_n3A_305 : vector<64x128xf32>
    %dot_general3A_307 = arith.constant dense<0.000000e+00> : vector<128x1024xf32>
    %dot_general3A_308 = tpu.matmul %add3A_306, %get3A_155, %dot_general3A_307 {dimension_numbers = #tpu.dot_dimension_numbers<[0], [0], [1], [1], [0, 1, 1, 1], [], []>, transpose_lhs_hint = false} : vector<64x128xf32>, vector<64x1024xf32>, vector<128x1024xf32> -> vector<128x1024xf32>
    %slice3A_309 = vector.extract_strided_slice %dot_general3A_308 {offsets = [0, 0], sizes = [96, 1024], strides = [1, 1]} : vector<128x1024xf32> to vector<96x1024xf32>
    %swap3A_310 = arith.constant 1 : index
    %swap3A_311 = arith.constant 0 : index
    %swap3A_312 = arith.constant 0 : index
    %swap3A_313 = vector.load %arg2[%swap3A_310, %swap3A_311, %swap3A_312] : memref<4x96x1024xf32, #tpu.memory_space<vmem>>, vector<1x96x1024xf32>
    %swap3A_314 = vector.shape_cast %swap3A_313 : vector<1x96x1024xf32> to vector<96x1024xf32>
    %swap3A_315 = vector.shape_cast %slice3A_309 : vector<96x1024xf32> to vector<1x96x1024xf32>
    tpu.vector_store %arg2[%swap3A_310, %swap3A_311, %swap3A_312], %swap3A_315 {strides = array<i32>} : memref<4x96x1024xf32, #tpu.memory_space<vmem>>, vector<1x96x1024xf32>,
    %get3A_316 = arith.constant 2 : index
    %get3A_317 = arith.constant 0 : index
    %get3A_318 = arith.constant 0 : index
    %get3A_319 = vector.load %arg0[%get3A_316, %get3A_317, %get3A_318] : memref<4x64x1024xf32, #tpu.memory_space<vmem>>, vector<1x64x1024xf32>
    %get3A_320 = vector.shape_cast %get3A_319 : vector<1x64x1024xf32> to vector<64x1024xf32>
    %get3A_321 = arith.constant 2 : index
    %get3A_322 = arith.constant 0 : index
    %get3A_323 = arith.constant 64 : index
    %get3A_324 = arith.constant 0 : index
    %get3A_325 = vector.load %arg1[%get3A_321, %get3A_322, %get3A_323, %get3A_324] : memref<4x8x72x128xf32, #tpu.memory_space<vmem>>, vector<1x8x1x64xf32>
    %get3A_326 = vector.shape_cast %get3A_325 : vector<1x8x1x64xf32> to vector<8x64xf32>
    %transpose3A_327 = tpu.transpose %get3A_326, [1, 0] : vector<8x64xf32> -> vector<64x8xf32>
    %reduce_max3A_328 = arith.constant dense<0xFF800000> : vector<64xf32>
    %reduce_max3A_329 = vector.multi_reduction <maximumf>, %transpose3A_327, %reduce_max3A_328 [1] : vector<64x8xf32> to vector<64xf32>
    %broadcast_in_dim3A_330 = vector.shape_cast %reduce_max3A_329 : vector<64xf32> to vector<64x1xf32>
    %eq3A_331 = vector.broadcast %broadcast_in_dim3A_330 : vector<64x1xf32> to vector<64x8xf32>
    %eq3A_332 = arith.cmpf oeq, %transpose3A_327, %eq3A_331 : vector<64x8xf32>
    %broadcast_in_dim3A_333 = arith.constant false
    %broadcast_in_dim3A_334 = vector.broadcast %broadcast_in_dim3A_333 : i1 to vector<64x1xi1>
    %broadcast_in_dim3A_335 = arith.constant 0.000000e+00 : f32
    %broadcast_in_dim3A_336 = vector.broadcast %broadcast_in_dim3A_335 : f32 to vector<64x128xf32>
    %slice3A_337 = vector.extract_strided_slice %eq3A_332 {offsets = [0, 0], sizes = [64, 1], strides = [1, 1]} : vector<64x8xi1> to vector<64x1xi1>
    %not3A_338 = arith.constant dense<true> : vector<64x1xi1>
    %not3A_339 = arith.xori %broadcast_in_dim3A_334, %not3A_338 : vector<64x1xi1>
    %and3A_340 = arith.andi %slice3A_337, %not3A_339 : vector<64x1xi1>
    %or3A_341 = arith.ori %broadcast_in_dim3A_334, %and3A_340 : vector<64x1xi1>
    %get3A_342 = arith.constant 2 : index
    %get3A_343 = arith.constant 0 : index
    %get3A_344 = arith.constant 0 : index
    %get3A_345 = arith.constant 0 : index
    %get3A_346 = vector.load %arg1[%get3A_342, %get3A_343, %get3A_344, %get3A_345] : memref<4x8x72x128xf32, #tpu.memory_space<vmem>>, vector<1x1x64x128xf32>
    %get3A_347 = vector.shape_cast %get3A_346 : vector<1x1x64x128xf32> to vector<64x128xf32>
    %jit3A_348 = arith.constant 0.000000e+00 : f32
    %broadcast_in_dim3A_349 = vector.shape_cast %and3A_340 : vector<64x1xi1> to vector<64x1xi1>
    %broadcast_in_dim3A_350 = vector.broadcast %broadcast_in_dim3A_349 : vector<64x1xi1> to vector<64x128xi1>
    %broadcast_in_dim3A_351 = vector.broadcast %jit3A_348 : f32 to vector<64x128xf32>
    %select_n3A_352 = arith.select %broadcast_in_dim3A_350, %get3A_347, %broadcast_in_dim3A_351 : vector<64x128xi1>, vector<64x128xf32>
    %add3A_353 = arith.addf %broadcast_in_dim3A_336, %select_n3A_352 : vector<64x128xf32>
    %slice3A_354 = vector.extract_strided_slice %eq3A_332 {offsets = [0, 1], sizes = [64, 1], strides = [1, 1]} : vector<64x8xi1> to vector<64x1xi1>
    %not3A_355 = arith.constant dense<true> : vector<64x1xi1>
    %not3A_356 = arith.xori %or3A_341, %not3A_355 : vector<64x1xi1>
    %and3A_357 = arith.andi %slice3A_354, %not3A_356 : vector<64x1xi1>
    %or3A_358 = arith.ori %or3A_341, %and3A_357 : vector<64x1xi1>
    %get3A_359 = arith.constant 2 : index
    %get3A_360 = arith.constant 1 : index
    %get3A_361 = arith.constant 0 : index
    %get3A_362 = arith.constant 0 : index
    %get3A_363 = vector.load %arg1[%get3A_359, %get3A_360, %get3A_361, %get3A_362] : memref<4x8x72x128xf32, #tpu.memory_space<vmem>>, vector<1x1x64x128xf32>
    %get3A_364 = vector.shape_cast %get3A_363 : vector<1x1x64x128xf32> to vector<64x128xf32>
    %jit3A_365 = arith.constant 0.000000e+00 : f32
    %broadcast_in_dim3A_366 = vector.shape_cast %and3A_357 : vector<64x1xi1> to vector<64x1xi1>
    %broadcast_in_dim3A_367 = vector.broadcast %broadcast_in_dim3A_366 : vector<64x1xi1> to vector<64x128xi1>
    %broadcast_in_dim3A_368 = vector.broadcast %jit3A_365 : f32 to vector<64x128xf32>
    %select_n3A_369 = arith.select %broadcast_in_dim3A_367, %get3A_364, %broadcast_in_dim3A_368 : vector<64x128xi1>, vector<64x128xf32>
    %add3A_370 = arith.addf %add3A_353, %select_n3A_369 : vector<64x128xf32>
    %slice3A_371 = vector.extract_strided_slice %eq3A_332 {offsets = [0, 2], sizes = [64, 1], strides = [1, 1]} : vector<64x8xi1> to vector<64x1xi1>
    %not3A_372 = arith.constant dense<true> : vector<64x1xi1>
    %not3A_373 = arith.xori %or3A_358, %not3A_372 : vector<64x1xi1>
    %and3A_374 = arith.andi %slice3A_371, %not3A_373 : vector<64x1xi1>
    %or3A_375 = arith.ori %or3A_358, %and3A_374 : vector<64x1xi1>
    %get3A_376 = arith.constant 2 : index
    %get3A_377 = arith.constant 2 : index
    %get3A_378 = arith.constant 0 : index
    %get3A_379 = arith.constant 0 : index
    %get3A_380 = vector.load %arg1[%get3A_376, %get3A_377, %get3A_378, %get3A_379] : memref<4x8x72x128xf32, #tpu.memory_space<vmem>>, vector<1x1x64x128xf32>
    %get3A_381 = vector.shape_cast %get3A_380 : vector<1x1x64x128xf32> to vector<64x128xf32>
    %jit3A_382 = arith.constant 0.000000e+00 : f32
    %broadcast_in_dim3A_383 = vector.shape_cast %and3A_374 : vector<64x1xi1> to vector<64x1xi1>
    %broadcast_in_dim3A_384 = vector.broadcast %broadcast_in_dim3A_383 : vector<64x1xi1> to vector<64x128xi1>
    %broadcast_in_dim3A_385 = vector.broadcast %jit3A_382 : f32 to vector<64x128xf32>
    %select_n3A_386 = arith.select %broadcast_in_dim3A_384, %get3A_381, %broadcast_in_dim3A_385 : vector<64x128xi1>, vector<64x128xf32>
    %add3A_387 = arith.addf %add3A_370, %select_n3A_386 : vector<64x128xf32>
    %slice3A_388 = vector.extract_strided_slice %eq3A_332 {offsets = [0, 3], sizes = [64, 1], strides = [1, 1]} : vector<64x8xi1> to vector<64x1xi1>
    %not3A_389 = arith.constant dense<true> : vector<64x1xi1>
    %not3A_390 = arith.xori %or3A_375, %not3A_389 : vector<64x1xi1>
    %and3A_391 = arith.andi %slice3A_388, %not3A_390 : vector<64x1xi1>
    %or3A_392 = arith.ori %or3A_375, %and3A_391 : vector<64x1xi1>
    %get3A_393 = arith.constant 2 : index
    %get3A_394 = arith.constant 3 : index
    %get3A_395 = arith.constant 0 : index
    %get3A_396 = arith.constant 0 : index
    %get3A_397 = vector.load %arg1[%get3A_393, %get3A_394, %get3A_395, %get3A_396] : memref<4x8x72x128xf32, #tpu.memory_space<vmem>>, vector<1x1x64x128xf32>
    %get3A_398 = vector.shape_cast %get3A_397 : vector<1x1x64x128xf32> to vector<64x128xf32>
    %jit3A_399 = arith.constant 0.000000e+00 : f32
    %broadcast_in_dim3A_400 = vector.shape_cast %and3A_391 : vector<64x1xi1> to vector<64x1xi1>
    %broadcast_in_dim3A_401 = vector.broadcast %broadcast_in_dim3A_400 : vector<64x1xi1> to vector<64x128xi1>
    %broadcast_in_dim3A_402 = vector.broadcast %jit3A_399 : f32 to vector<64x128xf32>
    %select_n3A_403 = arith.select %broadcast_in_dim3A_401, %get3A_398, %broadcast_in_dim3A_402 : vector<64x128xi1>, vector<64x128xf32>
    %add3A_404 = arith.addf %add3A_387, %select_n3A_403 : vector<64x128xf32>
    %slice3A_405 = vector.extract_strided_slice %eq3A_332 {offsets = [0, 4], sizes = [64, 1], strides = [1, 1]} : vector<64x8xi1> to vector<64x1xi1>
    %not3A_406 = arith.constant dense<true> : vector<64x1xi1>
    %not3A_407 = arith.xori %or3A_392, %not3A_406 : vector<64x1xi1>
    %and3A_408 = arith.andi %slice3A_405, %not3A_407 : vector<64x1xi1>
    %or3A_409 = arith.ori %or3A_392, %and3A_408 : vector<64x1xi1>
    %get3A_410 = arith.constant 2 : index
    %get3A_411 = arith.constant 4 : index
    %get3A_412 = arith.constant 0 : index
    %get3A_413 = arith.constant 0 : index
    %get3A_414 = vector.load %arg1[%get3A_410, %get3A_411, %get3A_412, %get3A_413] : memref<4x8x72x128xf32, #tpu.memory_space<vmem>>, vector<1x1x64x128xf32>
    %get3A_415 = vector.shape_cast %get3A_414 : vector<1x1x64x128xf32> to vector<64x128xf32>
    %jit3A_416 = arith.constant 0.000000e+00 : f32
    %broadcast_in_dim3A_417 = vector.shape_cast %and3A_408 : vector<64x1xi1> to vector<64x1xi1>
    %broadcast_in_dim3A_418 = vector.broadcast %broadcast_in_dim3A_417 : vector<64x1xi1> to vector<64x128xi1>
    %broadcast_in_dim3A_419 = vector.broadcast %jit3A_416 : f32 to vector<64x128xf32>
    %select_n3A_420 = arith.select %broadcast_in_dim3A_418, %get3A_415, %broadcast_in_dim3A_419 : vector<64x128xi1>, vector<64x128xf32>
    %add3A_421 = arith.addf %add3A_404, %select_n3A_420 : vector<64x128xf32>
    %slice3A_422 = vector.extract_strided_slice %eq3A_332 {offsets = [0, 5], sizes = [64, 1], strides = [1, 1]} : vector<64x8xi1> to vector<64x1xi1>
    %not3A_423 = arith.constant dense<true> : vector<64x1xi1>
    %not3A_424 = arith.xori %or3A_409, %not3A_423 : vector<64x1xi1>
    %and3A_425 = arith.andi %slice3A_422, %not3A_424 : vector<64x1xi1>
    %or3A_426 = arith.ori %or3A_409, %and3A_425 : vector<64x1xi1>
    %get3A_427 = arith.constant 2 : index
    %get3A_428 = arith.constant 5 : index
    %get3A_429 = arith.constant 0 : index
    %get3A_430 = arith.constant 0 : index
    %get3A_431 = vector.load %arg1[%get3A_427, %get3A_428, %get3A_429, %get3A_430] : memref<4x8x72x128xf32, #tpu.memory_space<vmem>>, vector<1x1x64x128xf32>
    %get3A_432 = vector.shape_cast %get3A_431 : vector<1x1x64x128xf32> to vector<64x128xf32>
    %jit3A_433 = arith.constant 0.000000e+00 : f32
    %broadcast_in_dim3A_434 = vector.shape_cast %and3A_425 : vector<64x1xi1> to vector<64x1xi1>
    %broadcast_in_dim3A_435 = vector.broadcast %broadcast_in_dim3A_434 : vector<64x1xi1> to vector<64x128xi1>
    %broadcast_in_dim3A_436 = vector.broadcast %jit3A_433 : f32 to vector<64x128xf32>
    %select_n3A_437 = arith.select %broadcast_in_dim3A_435, %get3A_432, %broadcast_in_dim3A_436 : vector<64x128xi1>, vector<64x128xf32>
    %add3A_438 = arith.addf %add3A_421, %select_n3A_437 : vector<64x128xf32>
    %slice3A_439 = vector.extract_strided_slice %eq3A_332 {offsets = [0, 6], sizes = [64, 1], strides = [1, 1]} : vector<64x8xi1> to vector<64x1xi1>
    %not3A_440 = arith.constant dense<true> : vector<64x1xi1>
    %not3A_441 = arith.xori %or3A_426, %not3A_440 : vector<64x1xi1>
    %and3A_442 = arith.andi %slice3A_439, %not3A_441 : vector<64x1xi1>
    %or3A_443 = arith.ori %or3A_426, %and3A_442 : vector<64x1xi1>
    %get3A_444 = arith.constant 2 : index
    %get3A_445 = arith.constant 6 : index
    %get3A_446 = arith.constant 0 : index
    %get3A_447 = arith.constant 0 : index
    %get3A_448 = vector.load %arg1[%get3A_444, %get3A_445, %get3A_446, %get3A_447] : memref<4x8x72x128xf32, #tpu.memory_space<vmem>>, vector<1x1x64x128xf32>
    %get3A_449 = vector.shape_cast %get3A_448 : vector<1x1x64x128xf32> to vector<64x128xf32>
    %jit3A_450 = arith.constant 0.000000e+00 : f32
    %broadcast_in_dim3A_451 = vector.shape_cast %and3A_442 : vector<64x1xi1> to vector<64x1xi1>
    %broadcast_in_dim3A_452 = vector.broadcast %broadcast_in_dim3A_451 : vector<64x1xi1> to vector<64x128xi1>
    %broadcast_in_dim3A_453 = vector.broadcast %jit3A_450 : f32 to vector<64x128xf32>
    %select_n3A_454 = arith.select %broadcast_in_dim3A_452, %get3A_449, %broadcast_in_dim3A_453 : vector<64x128xi1>, vector<64x128xf32>
    %add3A_455 = arith.addf %add3A_438, %select_n3A_454 : vector<64x128xf32>
    %slice3A_456 = vector.extract_strided_slice %eq3A_332 {offsets = [0, 7], sizes = [64, 1], strides = [1, 1]} : vector<64x8xi1> to vector<64x1xi1>
    %not3A_457 = arith.constant dense<true> : vector<64x1xi1>
    %not3A_458 = arith.xori %or3A_443, %not3A_457 : vector<64x1xi1>
    %and3A_459 = arith.andi %slice3A_456, %not3A_458 : vector<64x1xi1>
    %get3A_460 = arith.constant 2 : index
    %get3A_461 = arith.constant 7 : index
    %get3A_462 = arith.constant 0 : index
    %get3A_463 = arith.constant 0 : index
    %get3A_464 = vector.load %arg1[%get3A_460, %get3A_461, %get3A_462, %get3A_463] : memref<4x8x72x128xf32, #tpu.memory_space<vmem>>, vector<1x1x64x128xf32>
    %get3A_465 = vector.shape_cast %get3A_464 : vector<1x1x64x128xf32> to vector<64x128xf32>
    %jit3A_466 = arith.constant 0.000000e+00 : f32
    %broadcast_in_dim3A_467 = vector.shape_cast %and3A_459 : vector<64x1xi1> to vector<64x1xi1>
    %broadcast_in_dim3A_468 = vector.broadcast %broadcast_in_dim3A_467 : vector<64x1xi1> to vector<64x128xi1>
    %broadcast_in_dim3A_469 = vector.broadcast %jit3A_466 : f32 to vector<64x128xf32>
    %select_n3A_470 = arith.select %broadcast_in_dim3A_468, %get3A_465, %broadcast_in_dim3A_469 : vector<64x128xi1>, vector<64x128xf32>
    %add3A_471 = arith.addf %add3A_455, %select_n3A_470 : vector<64x128xf32>
    %dot_general3A_472 = arith.constant dense<0.000000e+00> : vector<128x1024xf32>
    %dot_general3A_473 = tpu.matmul %add3A_471, %get3A_320, %dot_general3A_472 {dimension_numbers = #tpu.dot_dimension_numbers<[0], [0], [1], [1], [0, 1, 1, 1], [], []>, transpose_lhs_hint = false} : vector<64x128xf32>, vector<64x1024xf32>, vector<128x1024xf32> -> vector<128x1024xf32>
    %slice3A_474 = vector.extract_strided_slice %dot_general3A_473 {offsets = [0, 0], sizes = [96, 1024], strides = [1, 1]} : vector<128x1024xf32> to vector<96x1024xf32>
    %swap3A_475 = arith.constant 2 : index
    %swap3A_476 = arith.constant 0 : index
    %swap3A_477 = arith.constant 0 : index
    %swap3A_478 = vector.load %arg2[%swap3A_475, %swap3A_476, %swap3A_477] : memref<4x96x1024xf32, #tpu.memory_space<vmem>>, vector<1x96x1024xf32>
    %swap3A_479 = vector.shape_cast %swap3A_478 : vector<1x96x1024xf32> to vector<96x1024xf32>
    %swap3A_480 = vector.shape_cast %slice3A_474 : vector<96x1024xf32> to vector<1x96x1024xf32>
    tpu.vector_store %arg2[%swap3A_475, %swap3A_476, %swap3A_477], %swap3A_480 {strides = array<i32>} : memref<4x96x1024xf32, #tpu.memory_space<vmem>>, vector<1x96x1024xf32>,
    %get3A_481 = arith.constant 3 : index
    %get3A_482 = arith.constant 0 : index
    %get3A_483 = arith.constant 0 : index
    %get3A_484 = vector.load %arg0[%get3A_481, %get3A_482, %get3A_483] : memref<4x64x1024xf32, #tpu.memory_space<vmem>>, vector<1x64x1024xf32>
    %get3A_485 = vector.shape_cast %get3A_484 : vector<1x64x1024xf32> to vector<64x1024xf32>
    %get3A_486 = arith.constant 3 : index
    %get3A_487 = arith.constant 0 : index
    %get3A_488 = arith.constant 64 : index
    %get3A_489 = arith.constant 0 : index
    %get3A_490 = vector.load %arg1[%get3A_486, %get3A_487, %get3A_488, %get3A_489] : memref<4x8x72x128xf32, #tpu.memory_space<vmem>>, vector<1x8x1x64xf32>
    %get3A_491 = vector.shape_cast %get3A_490 : vector<1x8x1x64xf32> to vector<8x64xf32>
    %transpose3A_492 = tpu.transpose %get3A_491, [1, 0] : vector<8x64xf32> -> vector<64x8xf32>
    %reduce_max3A_493 = arith.constant dense<0xFF800000> : vector<64xf32>
    %reduce_max3A_494 = vector.multi_reduction <maximumf>, %transpose3A_492, %reduce_max3A_493 [1] : vector<64x8xf32> to vector<64xf32>
    %broadcast_in_dim3A_495 = vector.shape_cast %reduce_max3A_494 : vector<64xf32> to vector<64x1xf32>
    %eq3A_496 = vector.broadcast %broadcast_in_dim3A_495 : vector<64x1xf32> to vector<64x8xf32>
    %eq3A_497 = arith.cmpf oeq, %transpose3A_492, %eq3A_496 : vector<64x8xf32>
    %broadcast_in_dim3A_498 = arith.constant false
    %broadcast_in_dim3A_499 = vector.broadcast %broadcast_in_dim3A_498 : i1 to vector<64x1xi1>
    %broadcast_in_dim3A_500 = arith.constant 0.000000e+00 : f32
    %broadcast_in_dim3A_501 = vector.broadcast %broadcast_in_dim3A_500 : f32 to vector<64x128xf32>
    %slice3A_502 = vector.extract_strided_slice %eq3A_497 {offsets = [0, 0], sizes = [64, 1], strides = [1, 1]} : vector<64x8xi1> to vector<64x1xi1>
    %not3A_503 = arith.constant dense<true> : vector<64x1xi1>
    %not3A_504 = arith.xori %broadcast_in_dim3A_499, %not3A_503 : vector<64x1xi1>
    %and3A_505 = arith.andi %slice3A_502, %not3A_504 : vector<64x1xi1>
    %or3A_506 = arith.ori %broadcast_in_dim3A_499, %and3A_505 : vector<64x1xi1>
    %get3A_507 = arith.constant 3 : index
    %get3A_508 = arith.constant 0 : index
    %get3A_509 = arith.constant 0 : index
    %get3A_510 = arith.constant 0 : index
    %get3A_511 = vector.load %arg1[%get3A_507, %get3A_508, %get3A_509, %get3A_510] : memref<4x8x72x128xf32, #tpu.memory_space<vmem>>, vector<1x1x64x128xf32>
    %get3A_512 = vector.shape_cast %get3A_511 : vector<1x1x64x128xf32> to vector<64x128xf32>
    %jit3A_513 = arith.constant 0.000000e+00 : f32
    %broadcast_in_dim3A_514 = vector.shape_cast %and3A_505 : vector<64x1xi1> to vector<64x1xi1>
    %broadcast_in_dim3A_515 = vector.broadcast %broadcast_in_dim3A_514 : vector<64x1xi1> to vector<64x128xi1>
    %broadcast_in_dim3A_516 = vector.broadcast %jit3A_513 : f32 to vector<64x128xf32>
    %select_n3A_517 = arith.select %broadcast_in_dim3A_515, %get3A_512, %broadcast_in_dim3A_516 : vector<64x128xi1>, vector<64x128xf32>
    %add3A_518 = arith.addf %broadcast_in_dim3A_501, %select_n3A_517 : vector<64x128xf32>
    %slice3A_519 = vector.extract_strided_slice %eq3A_497 {offsets = [0, 1], sizes = [64, 1], strides = [1, 1]} : vector<64x8xi1> to vector<64x1xi1>
    %not3A_520 = arith.constant dense<true> : vector<64x1xi1>
    %not3A_521 = arith.xori %or3A_506, %not3A_520 : vector<64x1xi1>
    %and3A_522 = arith.andi %slice3A_519, %not3A_521 : vector<64x1xi1>
    %or3A_523 = arith.ori %or3A_506, %and3A_522 : vector<64x1xi1>
    %get3A_524 = arith.constant 3 : index
    %get3A_525 = arith.constant 1 : index
    %get3A_526 = arith.constant 0 : index
    %get3A_527 = arith.constant 0 : index
    %get3A_528 = vector.load %arg1[%get3A_524, %get3A_525, %get3A_526, %get3A_527] : memref<4x8x72x128xf32, #tpu.memory_space<vmem>>, vector<1x1x64x128xf32>
    %get3A_529 = vector.shape_cast %get3A_528 : vector<1x1x64x128xf32> to vector<64x128xf32>
    %jit3A_530 = arith.constant 0.000000e+00 : f32
    %broadcast_in_dim3A_531 = vector.shape_cast %and3A_522 : vector<64x1xi1> to vector<64x1xi1>
    %broadcast_in_dim3A_532 = vector.broadcast %broadcast_in_dim3A_531 : vector<64x1xi1> to vector<64x128xi1>
    %broadcast_in_dim3A_533 = vector.broadcast %jit3A_530 : f32 to vector<64x128xf32>
    %select_n3A_534 = arith.select %broadcast_in_dim3A_532, %get3A_529, %broadcast_in_dim3A_533 : vector<64x128xi1>, vector<64x128xf32>
    %add3A_535 = arith.addf %add3A_518, %select_n3A_534 : vector<64x128xf32>
    %slice3A_536 = vector.extract_strided_slice %eq3A_497 {offsets = [0, 2], sizes = [64, 1], strides = [1, 1]} : vector<64x8xi1> to vector<64x1xi1>
    %not3A_537 = arith.constant dense<true> : vector<64x1xi1>
    %not3A_538 = arith.xori %or3A_523, %not3A_537 : vector<64x1xi1>
    %and3A_539 = arith.andi %slice3A_536, %not3A_538 : vector<64x1xi1>
    %or3A_540 = arith.ori %or3A_523, %and3A_539 : vector<64x1xi1>
    %get3A_541 = arith.constant 3 : index
    %get3A_542 = arith.constant 2 : index
    %get3A_543 = arith.constant 0 : index
    %get3A_544 = arith.constant 0 : index
    %get3A_545 = vector.load %arg1[%get3A_541, %get3A_542, %get3A_543, %get3A_544] : memref<4x8x72x128xf32, #tpu.memory_space<vmem>>, vector<1x1x64x128xf32>
    %get3A_546 = vector.shape_cast %get3A_545 : vector<1x1x64x128xf32> to vector<64x128xf32>
    %jit3A_547 = arith.constant 0.000000e+00 : f32
    %broadcast_in_dim3A_548 = vector.shape_cast %and3A_539 : vector<64x1xi1> to vector<64x1xi1>
    %broadcast_in_dim3A_549 = vector.broadcast %broadcast_in_dim3A_548 : vector<64x1xi1> to vector<64x128xi1>
    %broadcast_in_dim3A_550 = vector.broadcast %jit3A_547 : f32 to vector<64x128xf32>
    %select_n3A_551 = arith.select %broadcast_in_dim3A_549, %get3A_546, %broadcast_in_dim3A_550 : vector<64x128xi1>, vector<64x128xf32>
    %add3A_552 = arith.addf %add3A_535, %select_n3A_551 : vector<64x128xf32>
    %slice3A_553 = vector.extract_strided_slice %eq3A_497 {offsets = [0, 3], sizes = [64, 1], strides = [1, 1]} : vector<64x8xi1> to vector<64x1xi1>
    %not3A_554 = arith.constant dense<true> : vector<64x1xi1>
    %not3A_555 = arith.xori %or3A_540, %not3A_554 : vector<64x1xi1>
    %and3A_556 = arith.andi %slice3A_553, %not3A_555 : vector<64x1xi1>
    %or3A_557 = arith.ori %or3A_540, %and3A_556 : vector<64x1xi1>
    %get3A_558 = arith.constant 3 : index
    %get3A_559 = arith.constant 3 : index
    %get3A_560 = arith.constant 0 : index
    %get3A_561 = arith.constant 0 : index
    %get3A_562 = vector.load %arg1[%get3A_558, %get3A_559, %get3A_560, %get3A_561] : memref<4x8x72x128xf32, #tpu.memory_space<vmem>>, vector<1x1x64x128xf32>
    %get3A_563 = vector.shape_cast %get3A_562 : vector<1x1x64x128xf32> to vector<64x128xf32>
    %jit3A_564 = arith.constant 0.000000e+00 : f32
    %broadcast_in_dim3A_565 = vector.shape_cast %and3A_556 : vector<64x1xi1> to vector<64x1xi1>
    %broadcast_in_dim3A_566 = vector.broadcast %broadcast_in_dim3A_565 : vector<64x1xi1> to vector<64x128xi1>
    %broadcast_in_dim3A_567 = vector.broadcast %jit3A_564 : f32 to vector<64x128xf32>
    %select_n3A_568 = arith.select %broadcast_in_dim3A_566, %get3A_563, %broadcast_in_dim3A_567 : vector<64x128xi1>, vector<64x128xf32>
    %add3A_569 = arith.addf %add3A_552, %select_n3A_568 : vector<64x128xf32>
    %slice3A_570 = vector.extract_strided_slice %eq3A_497 {offsets = [0, 4], sizes = [64, 1], strides = [1, 1]} : vector<64x8xi1> to vector<64x1xi1>
    %not3A_571 = arith.constant dense<true> : vector<64x1xi1>
    %not3A_572 = arith.xori %or3A_557, %not3A_571 : vector<64x1xi1>
    %and3A_573 = arith.andi %slice3A_570, %not3A_572 : vector<64x1xi1>
    %or3A_574 = arith.ori %or3A_557, %and3A_573 : vector<64x1xi1>
    %get3A_575 = arith.constant 3 : index
    %get3A_576 = arith.constant 4 : index
    %get3A_577 = arith.constant 0 : index
    %get3A_578 = arith.constant 0 : index
    %get3A_579 = vector.load %arg1[%get3A_575, %get3A_576, %get3A_577, %get3A_578] : memref<4x8x72x128xf32, #tpu.memory_space<vmem>>, vector<1x1x64x128xf32>
    %get3A_580 = vector.shape_cast %get3A_579 : vector<1x1x64x128xf32> to vector<64x128xf32>
    %jit3A_581 = arith.constant 0.000000e+00 : f32
    %broadcast_in_dim3A_582 = vector.shape_cast %and3A_573 : vector<64x1xi1> to vector<64x1xi1>
    %broadcast_in_dim3A_583 = vector.broadcast %broadcast_in_dim3A_582 : vector<64x1xi1> to vector<64x128xi1>
    %broadcast_in_dim3A_584 = vector.broadcast %jit3A_581 : f32 to vector<64x128xf32>
    %select_n3A_585 = arith.select %broadcast_in_dim3A_583, %get3A_580, %broadcast_in_dim3A_584 : vector<64x128xi1>, vector<64x128xf32>
    %add3A_586 = arith.addf %add3A_569, %select_n3A_585 : vector<64x128xf32>
    %slice3A_587 = vector.extract_strided_slice %eq3A_497 {offsets = [0, 5], sizes = [64, 1], strides = [1, 1]} : vector<64x8xi1> to vector<64x1xi1>
    %not3A_588 = arith.constant dense<true> : vector<64x1xi1>
    %not3A_589 = arith.xori %or3A_574, %not3A_588 : vector<64x1xi1>
    %and3A_590 = arith.andi %slice3A_587, %not3A_589 : vector<64x1xi1>
    %or3A_591 = arith.ori %or3A_574, %and3A_590 : vector<64x1xi1>
    %get3A_592 = arith.constant 3 : index
    %get3A_593 = arith.constant 5 : index
    %get3A_594 = arith.constant 0 : index
    %get3A_595 = arith.constant 0 : index
    %get3A_596 = vector.load %arg1[%get3A_592, %get3A_593, %get3A_594, %get3A_595] : memref<4x8x72x128xf32, #tpu.memory_space<vmem>>, vector<1x1x64x128xf32>
    %get3A_597 = vector.shape_cast %get3A_596 : vector<1x1x64x128xf32> to vector<64x128xf32>
    %jit3A_598 = arith.constant 0.000000e+00 : f32
    %broadcast_in_dim3A_599 = vector.shape_cast %and3A_590 : vector<64x1xi1> to vector<64x1xi1>
    %broadcast_in_dim3A_600 = vector.broadcast %broadcast_in_dim3A_599 : vector<64x1xi1> to vector<64x128xi1>
    %broadcast_in_dim3A_601 = vector.broadcast %jit3A_598 : f32 to vector<64x128xf32>
    %select_n3A_602 = arith.select %broadcast_in_dim3A_600, %get3A_597, %broadcast_in_dim3A_601 : vector<64x128xi1>, vector<64x128xf32>
    %add3A_603 = arith.addf %add3A_586, %select_n3A_602 : vector<64x128xf32>
    %slice3A_604 = vector.extract_strided_slice %eq3A_497 {offsets = [0, 6], sizes = [64, 1], strides = [1, 1]} : vector<64x8xi1> to vector<64x1xi1>
    %not3A_605 = arith.constant dense<true> : vector<64x1xi1>
    %not3A_606 = arith.xori %or3A_591, %not3A_605 : vector<64x1xi1>
    %and3A_607 = arith.andi %slice3A_604, %not3A_606 : vector<64x1xi1>
    %or3A_608 = arith.ori %or3A_591, %and3A_607 : vector<64x1xi1>
    %get3A_609 = arith.constant 3 : index
    %get3A_610 = arith.constant 6 : index
    %get3A_611 = arith.constant 0 : index
    %get3A_612 = arith.constant 0 : index
    %get3A_613 = vector.load %arg1[%get3A_609, %get3A_610, %get3A_611, %get3A_612] : memref<4x8x72x128xf32, #tpu.memory_space<vmem>>, vector<1x1x64x128xf32>
    %get3A_614 = vector.shape_cast %get3A_613 : vector<1x1x64x128xf32> to vector<64x128xf32>
    %jit3A_615 = arith.constant 0.000000e+00 : f32
    %broadcast_in_dim3A_616 = vector.shape_cast %and3A_607 : vector<64x1xi1> to vector<64x1xi1>
    %broadcast_in_dim3A_617 = vector.broadcast %broadcast_in_dim3A_616 : vector<64x1xi1> to vector<64x128xi1>
    %broadcast_in_dim3A_618 = vector.broadcast %jit3A_615 : f32 to vector<64x128xf32>
    %select_n3A_619 = arith.select %broadcast_in_dim3A_617, %get3A_614, %broadcast_in_dim3A_618 : vector<64x128xi1>, vector<64x128xf32>
    %add3A_620 = arith.addf %add3A_603, %select_n3A_619 : vector<64x128xf32>
    %slice3A_621 = vector.extract_strided_slice %eq3A_497 {offsets = [0, 7], sizes = [64, 1], strides = [1, 1]} : vector<64x8xi1> to vector<64x1xi1>
    %not3A_622 = arith.constant dense<true> : vector<64x1xi1>
    %not3A_623 = arith.xori %or3A_608, %not3A_622 : vector<64x1xi1>
    %and3A_624 = arith.andi %slice3A_621, %not3A_623 : vector<64x1xi1>
    %get3A_625 = arith.constant 3 : index
    %get3A_626 = arith.constant 7 : index
    %get3A_627 = arith.constant 0 : index
    %get3A_628 = arith.constant 0 : index
    %get3A_629 = vector.load %arg1[%get3A_625, %get3A_626, %get3A_627, %get3A_628] : memref<4x8x72x128xf32, #tpu.memory_space<vmem>>, vector<1x1x64x128xf32>
    %get3A_630 = vector.shape_cast %get3A_629 : vector<1x1x64x128xf32> to vector<64x128xf32>
    %jit3A_631 = arith.constant 0.000000e+00 : f32
    %broadcast_in_dim3A_632 = vector.shape_cast %and3A_624 : vector<64x1xi1> to vector<64x1xi1>
    %broadcast_in_dim3A_633 = vector.broadcast %broadcast_in_dim3A_632 : vector<64x1xi1> to vector<64x128xi1>
    %broadcast_in_dim3A_634 = vector.broadcast %jit3A_631 : f32 to vector<64x128xf32>
    %select_n3A_635 = arith.select %broadcast_in_dim3A_633, %get3A_630, %broadcast_in_dim3A_634 : vector<64x128xi1>, vector<64x128xf32>
    %add3A_636 = arith.addf %add3A_620, %select_n3A_635 : vector<64x128xf32>
    %dot_general3A_637 = arith.constant dense<0.000000e+00> : vector<128x1024xf32>
    %dot_general3A_638 = tpu.matmul %add3A_636, %get3A_485, %dot_general3A_637 {dimension_numbers = #tpu.dot_dimension_numbers<[0], [0], [1], [1], [0, 1, 1, 1], [], []>, transpose_lhs_hint = false} : vector<64x128xf32>, vector<64x1024xf32>, vector<128x1024xf32> -> vector<128x1024xf32>
    %slice3A_639 = vector.extract_strided_slice %dot_general3A_638 {offsets = [0, 0], sizes = [96, 1024], strides = [1, 1]} : vector<128x1024xf32> to vector<96x1024xf32>
    %swap3A_640 = arith.constant 3 : index
    %swap3A_641 = arith.constant 0 : index
    %swap3A_642 = arith.constant 0 : index
    %swap3A_643 = vector.load %arg2[%swap3A_640, %swap3A_641, %swap3A_642] : memref<4x96x1024xf32, #tpu.memory_space<vmem>>, vector<1x96x1024xf32>
    %swap3A_644 = vector.shape_cast %swap3A_643 : vector<1x96x1024xf32> to vector<96x1024xf32>
    %swap3A_645 = vector.shape_cast %slice3A_639 : vector<96x1024xf32> to vector<1x96x1024xf32>
    tpu.vector_store %arg2[%swap3A_640, %swap3A_641, %swap3A_642], %swap3A_645 {strides = array<i32>} : memref<4x96x1024xf32, #tpu.memory_space<vmem>>, vector<1x96x1024xf32>,
    return
  }
}

module attributes {stable_mosaic.version = 14 : i64} {
  func.func @_stage_a_body(%arg0: memref<4x96x1024xf32, #tpu.memory_space<vmem>>, %arg1: memref<64x96xf32, #tpu.memory_space<vmem>>, %arg2: memref<4x1024x64xf32, #tpu.memory_space<vmem>>, %arg3: memref<4x1024x64xf32, #tpu.memory_space<vmem>>, %arg4: memref<4x1024x128xf32, #tpu.memory_space<vmem>>, %arg5: memref<4x64x1024xf32, #tpu.memory_space<vmem>>) attributes {dimension_semantics = [], scalar_prefetch = 0 : i64, scratch_operands = 0 : i64, tpu.core_type = #tpu.core_type<tc>} {
    %get3A = arith.constant 0 : index
    %get3A_0 = arith.constant 0 : index
    %get3A_1 = vector.load %arg1[%get3A, %get3A_0] : memref<64x96xf32, #tpu.memory_space<vmem>>, vector<64x96xf32>
    %get3A_2 = arith.constant 0 : index
    %get3A_3 = arith.constant 0 : index
    %get3A_4 = arith.constant 0 : index
    %get3A_5 = vector.load %arg0[%get3A_2, %get3A_3, %get3A_4] : memref<4x96x1024xf32, #tpu.memory_space<vmem>>, vector<1x96x1024xf32>
    %get3A_6 = vector.shape_cast %get3A_5 : vector<1x96x1024xf32> to vector<96x1024xf32>
    %get3A_7 = arith.constant 0 : index
    %get3A_8 = arith.constant 0 : index
    %get3A_9 = arith.constant 0 : index
    %get3A_10 = vector.load %arg2[%get3A_7, %get3A_8, %get3A_9] : memref<4x1024x64xf32, #tpu.memory_space<vmem>>, vector<1x1024x64xf32>
    %get3A_11 = vector.shape_cast %get3A_10 : vector<1x1024x64xf32> to vector<1024x64xf32>
    %transpose3A = tpu.transpose %get3A_6, [1, 0] : vector<96x1024xf32> -> vector<1024x96xf32>
    %dot_general3A = arith.constant dense<0.000000e+00> : vector<1024x64xf32>
    %dot_general3A_12 = tpu.matmul %transpose3A, %get3A_1, %dot_general3A {dimension_numbers = #tpu.dot_dimension_numbers<[1], [1], [0], [0], [0, 0, 1, 0], [], []>, transpose_lhs_hint = false} : vector<1024x96xf32>, vector<64x96xf32>, vector<1024x64xf32> -> vector<1024x64xf32>
    %add3A = arith.constant 9.99999968E-21 : f32
    %add3A_13 = vector.broadcast %add3A : f32 to vector<1024x64xf32>
    %add3A_14 = arith.addf %get3A_11, %add3A_13 : vector<1024x64xf32>
    %log3A = math.log %add3A_14 : vector<1024x64xf32>
    %neg3A = arith.constant 0.000000e+00 : f32
    %neg3A_15 = vector.broadcast %neg3A : f32 to vector<1024x64xf32>
    %neg3A_16 = arith.subf %neg3A_15, %log3A : vector<1024x64xf32>
    %add3A_17 = arith.constant 9.99999968E-21 : f32
    %add3A_18 = vector.broadcast %add3A_17 : f32 to vector<1024x64xf32>
    %add3A_19 = arith.addf %neg3A_16, %add3A_18 : vector<1024x64xf32>
    %log3A_20 = math.log %add3A_19 : vector<1024x64xf32>
    %neg3A_21 = arith.constant 0.000000e+00 : f32
    %neg3A_22 = vector.broadcast %neg3A_21 : f32 to vector<1024x64xf32>
    %neg3A_23 = arith.subf %neg3A_22, %log3A_20 : vector<1024x64xf32>
    %add3A_24 = arith.addf %dot_general3A_12, %neg3A_23 : vector<1024x64xf32>
    %swap3A = arith.constant 0 : index
    %swap3A_25 = arith.constant 0 : index
    %swap3A_26 = arith.constant 0 : index
    %swap3A_27 = vector.load %arg3[%swap3A, %swap3A_25, %swap3A_26] : memref<4x1024x64xf32, #tpu.memory_space<vmem>>, vector<1x1024x64xf32>
    %swap3A_28 = vector.shape_cast %swap3A_27 : vector<1x1024x64xf32> to vector<1024x64xf32>
    %swap3A_29 = vector.shape_cast %add3A_24 : vector<1024x64xf32> to vector<1x1024x64xf32>
    tpu.vector_store %arg3[%swap3A, %swap3A_25, %swap3A_26], %swap3A_29 {strides = array<i32>} : memref<4x1024x64xf32, #tpu.memory_space<vmem>>, vector<1x1024x64xf32>,
    %broadcast_in_dim3A = arith.constant 0.000000e+00 : f32
    %broadcast_in_dim3A_30 = vector.broadcast %broadcast_in_dim3A : f32 to vector<1024x32xf32>
    %concatenate3A = tpu.concatenate %transpose3A, %broadcast_in_dim3A_30 in 1 : vector<1024x96xf32>, vector<1024x32xf32> -> vector<1024x128xf32>
    %swap3A_31 = arith.constant 0 : index
    %swap3A_32 = arith.constant 0 : index
    %swap3A_33 = arith.constant 0 : index
    %swap3A_34 = vector.load %arg4[%swap3A_31, %swap3A_32, %swap3A_33] : memref<4x1024x128xf32, #tpu.memory_space<vmem>>, vector<1x1024x128xf32>
    %swap3A_35 = vector.shape_cast %swap3A_34 : vector<1x1024x128xf32> to vector<1024x128xf32>
    %swap3A_36 = vector.shape_cast %concatenate3A : vector<1024x128xf32> to vector<1x1024x128xf32>
    tpu.vector_store %arg4[%swap3A_31, %swap3A_32, %swap3A_33], %swap3A_36 {strides = array<i32>} : memref<4x1024x128xf32, #tpu.memory_space<vmem>>, vector<1x1024x128xf32>,
    %reduce_max3A = arith.constant dense<0xFF800000> : vector<1024xf32>
    %reduce_max3A_37 = vector.multi_reduction <maximumf>, %dot_general3A_12, %reduce_max3A [1] : vector<1024x64xf32> to vector<1024xf32>
    %broadcast_in_dim3A_38 = vector.shape_cast %reduce_max3A_37 : vector<1024xf32> to vector<1024x1xf32>
    %sub3A = vector.broadcast %broadcast_in_dim3A_38 : vector<1024x1xf32> to vector<1024x64xf32>
    %sub3A_39 = arith.subf %dot_general3A_12, %sub3A : vector<1024x64xf32>
    %exp3A = math.exp %sub3A_39 : vector<1024x64xf32>
    %reduce_sum3A = arith.constant dense<0.000000e+00> : vector<1024xf32>
    %reduce_sum3A_40 = vector.multi_reduction <add>, %exp3A, %reduce_sum3A [1] : vector<1024x64xf32> to vector<1024xf32>
    %broadcast_in_dim3A_41 = vector.shape_cast %reduce_sum3A_40 : vector<1024xf32> to vector<1024x1xf32>
    %div3A = vector.broadcast %broadcast_in_dim3A_41 : vector<1024x1xf32> to vector<1024x64xf32>
    %div3A_42 = arith.divf %exp3A, %div3A : vector<1024x64xf32>
    %transpose3A_43 = tpu.transpose %div3A_42, [1, 0] : vector<1024x64xf32> -> vector<64x1024xf32>
    %swap3A_44 = arith.constant 0 : index
    %swap3A_45 = arith.constant 0 : index
    %swap3A_46 = arith.constant 0 : index
    %swap3A_47 = vector.load %arg5[%swap3A_44, %swap3A_45, %swap3A_46] : memref<4x64x1024xf32, #tpu.memory_space<vmem>>, vector<1x64x1024xf32>
    %swap3A_48 = vector.shape_cast %swap3A_47 : vector<1x64x1024xf32> to vector<64x1024xf32>
    %swap3A_49 = vector.shape_cast %transpose3A_43 : vector<64x1024xf32> to vector<1x64x1024xf32>
    tpu.vector_store %arg5[%swap3A_44, %swap3A_45, %swap3A_46], %swap3A_49 {strides = array<i32>} : memref<4x64x1024xf32, #tpu.memory_space<vmem>>, vector<1x64x1024xf32>,
    %get3A_50 = arith.constant 1 : index
    %get3A_51 = arith.constant 0 : index
    %get3A_52 = arith.constant 0 : index
    %get3A_53 = vector.load %arg0[%get3A_50, %get3A_51, %get3A_52] : memref<4x96x1024xf32, #tpu.memory_space<vmem>>, vector<1x96x1024xf32>
    %get3A_54 = vector.shape_cast %get3A_53 : vector<1x96x1024xf32> to vector<96x1024xf32>
    %get3A_55 = arith.constant 1 : index
    %get3A_56 = arith.constant 0 : index
    %get3A_57 = arith.constant 0 : index
    %get3A_58 = vector.load %arg2[%get3A_55, %get3A_56, %get3A_57] : memref<4x1024x64xf32, #tpu.memory_space<vmem>>, vector<1x1024x64xf32>
    %get3A_59 = vector.shape_cast %get3A_58 : vector<1x1024x64xf32> to vector<1024x64xf32>
    %transpose3A_60 = tpu.transpose %get3A_54, [1, 0] : vector<96x1024xf32> -> vector<1024x96xf32>
    %dot_general3A_61 = arith.constant dense<0.000000e+00> : vector<1024x64xf32>
    %dot_general3A_62 = tpu.matmul %transpose3A_60, %get3A_1, %dot_general3A_61 {dimension_numbers = #tpu.dot_dimension_numbers<[1], [1], [0], [0], [0, 0, 1, 0], [], []>, transpose_lhs_hint = false} : vector<1024x96xf32>, vector<64x96xf32>, vector<1024x64xf32> -> vector<1024x64xf32>
    %add3A_63 = arith.constant 9.99999968E-21 : f32
    %add3A_64 = vector.broadcast %add3A_63 : f32 to vector<1024x64xf32>
    %add3A_65 = arith.addf %get3A_59, %add3A_64 : vector<1024x64xf32>
    %log3A_66 = math.log %add3A_65 : vector<1024x64xf32>
    %neg3A_67 = arith.constant 0.000000e+00 : f32
    %neg3A_68 = vector.broadcast %neg3A_67 : f32 to vector<1024x64xf32>
    %neg3A_69 = arith.subf %neg3A_68, %log3A_66 : vector<1024x64xf32>
    %add3A_70 = arith.constant 9.99999968E-21 : f32
    %add3A_71 = vector.broadcast %add3A_70 : f32 to vector<1024x64xf32>
    %add3A_72 = arith.addf %neg3A_69, %add3A_71 : vector<1024x64xf32>
    %log3A_73 = math.log %add3A_72 : vector<1024x64xf32>
    %neg3A_74 = arith.constant 0.000000e+00 : f32
    %neg3A_75 = vector.broadcast %neg3A_74 : f32 to vector<1024x64xf32>
    %neg3A_76 = arith.subf %neg3A_75, %log3A_73 : vector<1024x64xf32>
    %add3A_77 = arith.addf %dot_general3A_62, %neg3A_76 : vector<1024x64xf32>
    %swap3A_78 = arith.constant 1 : index
    %swap3A_79 = arith.constant 0 : index
    %swap3A_80 = arith.constant 0 : index
    %swap3A_81 = vector.load %arg3[%swap3A_78, %swap3A_79, %swap3A_80] : memref<4x1024x64xf32, #tpu.memory_space<vmem>>, vector<1x1024x64xf32>
    %swap3A_82 = vector.shape_cast %swap3A_81 : vector<1x1024x64xf32> to vector<1024x64xf32>
    %swap3A_83 = vector.shape_cast %add3A_77 : vector<1024x64xf32> to vector<1x1024x64xf32>
    tpu.vector_store %arg3[%swap3A_78, %swap3A_79, %swap3A_80], %swap3A_83 {strides = array<i32>} : memref<4x1024x64xf32, #tpu.memory_space<vmem>>, vector<1x1024x64xf32>,
    %broadcast_in_dim3A_84 = arith.constant 0.000000e+00 : f32
    %broadcast_in_dim3A_85 = vector.broadcast %broadcast_in_dim3A_84 : f32 to vector<1024x32xf32>
    %concatenate3A_86 = tpu.concatenate %transpose3A_60, %broadcast_in_dim3A_85 in 1 : vector<1024x96xf32>, vector<1024x32xf32> -> vector<1024x128xf32>
    %swap3A_87 = arith.constant 1 : index
    %swap3A_88 = arith.constant 0 : index
    %swap3A_89 = arith.constant 0 : index
    %swap3A_90 = vector.load %arg4[%swap3A_87, %swap3A_88, %swap3A_89] : memref<4x1024x128xf32, #tpu.memory_space<vmem>>, vector<1x1024x128xf32>
    %swap3A_91 = vector.shape_cast %swap3A_90 : vector<1x1024x128xf32> to vector<1024x128xf32>
    %swap3A_92 = vector.shape_cast %concatenate3A_86 : vector<1024x128xf32> to vector<1x1024x128xf32>
    tpu.vector_store %arg4[%swap3A_87, %swap3A_88, %swap3A_89], %swap3A_92 {strides = array<i32>} : memref<4x1024x128xf32, #tpu.memory_space<vmem>>, vector<1x1024x128xf32>,
    %reduce_max3A_93 = arith.constant dense<0xFF800000> : vector<1024xf32>
    %reduce_max3A_94 = vector.multi_reduction <maximumf>, %dot_general3A_62, %reduce_max3A_93 [1] : vector<1024x64xf32> to vector<1024xf32>
    %broadcast_in_dim3A_95 = vector.shape_cast %reduce_max3A_94 : vector<1024xf32> to vector<1024x1xf32>
    %sub3A_96 = vector.broadcast %broadcast_in_dim3A_95 : vector<1024x1xf32> to vector<1024x64xf32>
    %sub3A_97 = arith.subf %dot_general3A_62, %sub3A_96 : vector<1024x64xf32>
    %exp3A_98 = math.exp %sub3A_97 : vector<1024x64xf32>
    %reduce_sum3A_99 = arith.constant dense<0.000000e+00> : vector<1024xf32>
    %reduce_sum3A_100 = vector.multi_reduction <add>, %exp3A_98, %reduce_sum3A_99 [1] : vector<1024x64xf32> to vector<1024xf32>
    %broadcast_in_dim3A_101 = vector.shape_cast %reduce_sum3A_100 : vector<1024xf32> to vector<1024x1xf32>
    %div3A_102 = vector.broadcast %broadcast_in_dim3A_101 : vector<1024x1xf32> to vector<1024x64xf32>
    %div3A_103 = arith.divf %exp3A_98, %div3A_102 : vector<1024x64xf32>
    %transpose3A_104 = tpu.transpose %div3A_103, [1, 0] : vector<1024x64xf32> -> vector<64x1024xf32>
    %swap3A_105 = arith.constant 1 : index
    %swap3A_106 = arith.constant 0 : index
    %swap3A_107 = arith.constant 0 : index
    %swap3A_108 = vector.load %arg5[%swap3A_105, %swap3A_106, %swap3A_107] : memref<4x64x1024xf32, #tpu.memory_space<vmem>>, vector<1x64x1024xf32>
    %swap3A_109 = vector.shape_cast %swap3A_108 : vector<1x64x1024xf32> to vector<64x1024xf32>
    %swap3A_110 = vector.shape_cast %transpose3A_104 : vector<64x1024xf32> to vector<1x64x1024xf32>
    tpu.vector_store %arg5[%swap3A_105, %swap3A_106, %swap3A_107], %swap3A_110 {strides = array<i32>} : memref<4x64x1024xf32, #tpu.memory_space<vmem>>, vector<1x64x1024xf32>,
    %get3A_111 = arith.constant 2 : index
    %get3A_112 = arith.constant 0 : index
    %get3A_113 = arith.constant 0 : index
    %get3A_114 = vector.load %arg0[%get3A_111, %get3A_112, %get3A_113] : memref<4x96x1024xf32, #tpu.memory_space<vmem>>, vector<1x96x1024xf32>
    %get3A_115 = vector.shape_cast %get3A_114 : vector<1x96x1024xf32> to vector<96x1024xf32>
    %get3A_116 = arith.constant 2 : index
    %get3A_117 = arith.constant 0 : index
    %get3A_118 = arith.constant 0 : index
    %get3A_119 = vector.load %arg2[%get3A_116, %get3A_117, %get3A_118] : memref<4x1024x64xf32, #tpu.memory_space<vmem>>, vector<1x1024x64xf32>
    %get3A_120 = vector.shape_cast %get3A_119 : vector<1x1024x64xf32> to vector<1024x64xf32>
    %transpose3A_121 = tpu.transpose %get3A_115, [1, 0] : vector<96x1024xf32> -> vector<1024x96xf32>
    %dot_general3A_122 = arith.constant dense<0.000000e+00> : vector<1024x64xf32>
    %dot_general3A_123 = tpu.matmul %transpose3A_121, %get3A_1, %dot_general3A_122 {dimension_numbers = #tpu.dot_dimension_numbers<[1], [1], [0], [0], [0, 0, 1, 0], [], []>, transpose_lhs_hint = false} : vector<1024x96xf32>, vector<64x96xf32>, vector<1024x64xf32> -> vector<1024x64xf32>
    %add3A_124 = arith.constant 9.99999968E-21 : f32
    %add3A_125 = vector.broadcast %add3A_124 : f32 to vector<1024x64xf32>
    %add3A_126 = arith.addf %get3A_120, %add3A_125 : vector<1024x64xf32>
    %log3A_127 = math.log %add3A_126 : vector<1024x64xf32>
    %neg3A_128 = arith.constant 0.000000e+00 : f32
    %neg3A_129 = vector.broadcast %neg3A_128 : f32 to vector<1024x64xf32>
    %neg3A_130 = arith.subf %neg3A_129, %log3A_127 : vector<1024x64xf32>
    %add3A_131 = arith.constant 9.99999968E-21 : f32
    %add3A_132 = vector.broadcast %add3A_131 : f32 to vector<1024x64xf32>
    %add3A_133 = arith.addf %neg3A_130, %add3A_132 : vector<1024x64xf32>
    %log3A_134 = math.log %add3A_133 : vector<1024x64xf32>
    %neg3A_135 = arith.constant 0.000000e+00 : f32
    %neg3A_136 = vector.broadcast %neg3A_135 : f32 to vector<1024x64xf32>
    %neg3A_137 = arith.subf %neg3A_136, %log3A_134 : vector<1024x64xf32>
    %add3A_138 = arith.addf %dot_general3A_123, %neg3A_137 : vector<1024x64xf32>
    %swap3A_139 = arith.constant 2 : index
    %swap3A_140 = arith.constant 0 : index
    %swap3A_141 = arith.constant 0 : index
    %swap3A_142 = vector.load %arg3[%swap3A_139, %swap3A_140, %swap3A_141] : memref<4x1024x64xf32, #tpu.memory_space<vmem>>, vector<1x1024x64xf32>
    %swap3A_143 = vector.shape_cast %swap3A_142 : vector<1x1024x64xf32> to vector<1024x64xf32>
    %swap3A_144 = vector.shape_cast %add3A_138 : vector<1024x64xf32> to vector<1x1024x64xf32>
    tpu.vector_store %arg3[%swap3A_139, %swap3A_140, %swap3A_141], %swap3A_144 {strides = array<i32>} : memref<4x1024x64xf32, #tpu.memory_space<vmem>>, vector<1x1024x64xf32>,
    %broadcast_in_dim3A_145 = arith.constant 0.000000e+00 : f32
    %broadcast_in_dim3A_146 = vector.broadcast %broadcast_in_dim3A_145 : f32 to vector<1024x32xf32>
    %concatenate3A_147 = tpu.concatenate %transpose3A_121, %broadcast_in_dim3A_146 in 1 : vector<1024x96xf32>, vector<1024x32xf32> -> vector<1024x128xf32>
    %swap3A_148 = arith.constant 2 : index
    %swap3A_149 = arith.constant 0 : index
    %swap3A_150 = arith.constant 0 : index
    %swap3A_151 = vector.load %arg4[%swap3A_148, %swap3A_149, %swap3A_150] : memref<4x1024x128xf32, #tpu.memory_space<vmem>>, vector<1x1024x128xf32>
    %swap3A_152 = vector.shape_cast %swap3A_151 : vector<1x1024x128xf32> to vector<1024x128xf32>
    %swap3A_153 = vector.shape_cast %concatenate3A_147 : vector<1024x128xf32> to vector<1x1024x128xf32>
    tpu.vector_store %arg4[%swap3A_148, %swap3A_149, %swap3A_150], %swap3A_153 {strides = array<i32>} : memref<4x1024x128xf32, #tpu.memory_space<vmem>>, vector<1x1024x128xf32>,
    %reduce_max3A_154 = arith.constant dense<0xFF800000> : vector<1024xf32>
    %reduce_max3A_155 = vector.multi_reduction <maximumf>, %dot_general3A_123, %reduce_max3A_154 [1] : vector<1024x64xf32> to vector<1024xf32>
    %broadcast_in_dim3A_156 = vector.shape_cast %reduce_max3A_155 : vector<1024xf32> to vector<1024x1xf32>
    %sub3A_157 = vector.broadcast %broadcast_in_dim3A_156 : vector<1024x1xf32> to vector<1024x64xf32>
    %sub3A_158 = arith.subf %dot_general3A_123, %sub3A_157 : vector<1024x64xf32>
    %exp3A_159 = math.exp %sub3A_158 : vector<1024x64xf32>
    %reduce_sum3A_160 = arith.constant dense<0.000000e+00> : vector<1024xf32>
    %reduce_sum3A_161 = vector.multi_reduction <add>, %exp3A_159, %reduce_sum3A_160 [1] : vector<1024x64xf32> to vector<1024xf32>
    %broadcast_in_dim3A_162 = vector.shape_cast %reduce_sum3A_161 : vector<1024xf32> to vector<1024x1xf32>
    %div3A_163 = vector.broadcast %broadcast_in_dim3A_162 : vector<1024x1xf32> to vector<1024x64xf32>
    %div3A_164 = arith.divf %exp3A_159, %div3A_163 : vector<1024x64xf32>
    %transpose3A_165 = tpu.transpose %div3A_164, [1, 0] : vector<1024x64xf32> -> vector<64x1024xf32>
    %swap3A_166 = arith.constant 2 : index
    %swap3A_167 = arith.constant 0 : index
    %swap3A_168 = arith.constant 0 : index
    %swap3A_169 = vector.load %arg5[%swap3A_166, %swap3A_167, %swap3A_168] : memref<4x64x1024xf32, #tpu.memory_space<vmem>>, vector<1x64x1024xf32>
    %swap3A_170 = vector.shape_cast %swap3A_169 : vector<1x64x1024xf32> to vector<64x1024xf32>
    %swap3A_171 = vector.shape_cast %transpose3A_165 : vector<64x1024xf32> to vector<1x64x1024xf32>
    tpu.vector_store %arg5[%swap3A_166, %swap3A_167, %swap3A_168], %swap3A_171 {strides = array<i32>} : memref<4x64x1024xf32, #tpu.memory_space<vmem>>, vector<1x64x1024xf32>,
    %get3A_172 = arith.constant 3 : index
    %get3A_173 = arith.constant 0 : index
    %get3A_174 = arith.constant 0 : index
    %get3A_175 = vector.load %arg0[%get3A_172, %get3A_173, %get3A_174] : memref<4x96x1024xf32, #tpu.memory_space<vmem>>, vector<1x96x1024xf32>
    %get3A_176 = vector.shape_cast %get3A_175 : vector<1x96x1024xf32> to vector<96x1024xf32>
    %get3A_177 = arith.constant 3 : index
    %get3A_178 = arith.constant 0 : index
    %get3A_179 = arith.constant 0 : index
    %get3A_180 = vector.load %arg2[%get3A_177, %get3A_178, %get3A_179] : memref<4x1024x64xf32, #tpu.memory_space<vmem>>, vector<1x1024x64xf32>
    %get3A_181 = vector.shape_cast %get3A_180 : vector<1x1024x64xf32> to vector<1024x64xf32>
    %transpose3A_182 = tpu.transpose %get3A_176, [1, 0] : vector<96x1024xf32> -> vector<1024x96xf32>
    %dot_general3A_183 = arith.constant dense<0.000000e+00> : vector<1024x64xf32>
    %dot_general3A_184 = tpu.matmul %transpose3A_182, %get3A_1, %dot_general3A_183 {dimension_numbers = #tpu.dot_dimension_numbers<[1], [1], [0], [0], [0, 0, 1, 0], [], []>, transpose_lhs_hint = false} : vector<1024x96xf32>, vector<64x96xf32>, vector<1024x64xf32> -> vector<1024x64xf32>
    %add3A_185 = arith.constant 9.99999968E-21 : f32
    %add3A_186 = vector.broadcast %add3A_185 : f32 to vector<1024x64xf32>
    %add3A_187 = arith.addf %get3A_181, %add3A_186 : vector<1024x64xf32>
    %log3A_188 = math.log %add3A_187 : vector<1024x64xf32>
    %neg3A_189 = arith.constant 0.000000e+00 : f32
    %neg3A_190 = vector.broadcast %neg3A_189 : f32 to vector<1024x64xf32>
    %neg3A_191 = arith.subf %neg3A_190, %log3A_188 : vector<1024x64xf32>
    %add3A_192 = arith.constant 9.99999968E-21 : f32
    %add3A_193 = vector.broadcast %add3A_192 : f32 to vector<1024x64xf32>
    %add3A_194 = arith.addf %neg3A_191, %add3A_193 : vector<1024x64xf32>
    %log3A_195 = math.log %add3A_194 : vector<1024x64xf32>
    %neg3A_196 = arith.constant 0.000000e+00 : f32
    %neg3A_197 = vector.broadcast %neg3A_196 : f32 to vector<1024x64xf32>
    %neg3A_198 = arith.subf %neg3A_197, %log3A_195 : vector<1024x64xf32>
    %add3A_199 = arith.addf %dot_general3A_184, %neg3A_198 : vector<1024x64xf32>
    %swap3A_200 = arith.constant 3 : index
    %swap3A_201 = arith.constant 0 : index
    %swap3A_202 = arith.constant 0 : index
    %swap3A_203 = vector.load %arg3[%swap3A_200, %swap3A_201, %swap3A_202] : memref<4x1024x64xf32, #tpu.memory_space<vmem>>, vector<1x1024x64xf32>
    %swap3A_204 = vector.shape_cast %swap3A_203 : vector<1x1024x64xf32> to vector<1024x64xf32>
    %swap3A_205 = vector.shape_cast %add3A_199 : vector<1024x64xf32> to vector<1x1024x64xf32>
    tpu.vector_store %arg3[%swap3A_200, %swap3A_201, %swap3A_202], %swap3A_205 {strides = array<i32>} : memref<4x1024x64xf32, #tpu.memory_space<vmem>>, vector<1x1024x64xf32>,
    %broadcast_in_dim3A_206 = arith.constant 0.000000e+00 : f32
    %broadcast_in_dim3A_207 = vector.broadcast %broadcast_in_dim3A_206 : f32 to vector<1024x32xf32>
    %concatenate3A_208 = tpu.concatenate %transpose3A_182, %broadcast_in_dim3A_207 in 1 : vector<1024x96xf32>, vector<1024x32xf32> -> vector<1024x128xf32>
    %swap3A_209 = arith.constant 3 : index
    %swap3A_210 = arith.constant 0 : index
    %swap3A_211 = arith.constant 0 : index
    %swap3A_212 = vector.load %arg4[%swap3A_209, %swap3A_210, %swap3A_211] : memref<4x1024x128xf32, #tpu.memory_space<vmem>>, vector<1x1024x128xf32>
    %swap3A_213 = vector.shape_cast %swap3A_212 : vector<1x1024x128xf32> to vector<1024x128xf32>
    %swap3A_214 = vector.shape_cast %concatenate3A_208 : vector<1024x128xf32> to vector<1x1024x128xf32>
    tpu.vector_store %arg4[%swap3A_209, %swap3A_210, %swap3A_211], %swap3A_214 {strides = array<i32>} : memref<4x1024x128xf32, #tpu.memory_space<vmem>>, vector<1x1024x128xf32>,
    %reduce_max3A_215 = arith.constant dense<0xFF800000> : vector<1024xf32>
    %reduce_max3A_216 = vector.multi_reduction <maximumf>, %dot_general3A_184, %reduce_max3A_215 [1] : vector<1024x64xf32> to vector<1024xf32>
    %broadcast_in_dim3A_217 = vector.shape_cast %reduce_max3A_216 : vector<1024xf32> to vector<1024x1xf32>
    %sub3A_218 = vector.broadcast %broadcast_in_dim3A_217 : vector<1024x1xf32> to vector<1024x64xf32>
    %sub3A_219 = arith.subf %dot_general3A_184, %sub3A_218 : vector<1024x64xf32>
    %exp3A_220 = math.exp %sub3A_219 : vector<1024x64xf32>
    %reduce_sum3A_221 = arith.constant dense<0.000000e+00> : vector<1024xf32>
    %reduce_sum3A_222 = vector.multi_reduction <add>, %exp3A_220, %reduce_sum3A_221 [1] : vector<1024x64xf32> to vector<1024xf32>
    %broadcast_in_dim3A_223 = vector.shape_cast %reduce_sum3A_222 : vector<1024xf32> to vector<1024x1xf32>
    %div3A_224 = vector.broadcast %broadcast_in_dim3A_223 : vector<1024x1xf32> to vector<1024x64xf32>
    %div3A_225 = arith.divf %exp3A_220, %div3A_224 : vector<1024x64xf32>
    %transpose3A_226 = tpu.transpose %div3A_225, [1, 0] : vector<1024x64xf32> -> vector<64x1024xf32>
    %swap3A_227 = arith.constant 3 : index
    %swap3A_228 = arith.constant 0 : index
    %swap3A_229 = arith.constant 0 : index
    %swap3A_230 = vector.load %arg5[%swap3A_227, %swap3A_228, %swap3A_229] : memref<4x64x1024xf32, #tpu.memory_space<vmem>>, vector<1x64x1024xf32>
    %swap3A_231 = vector.shape_cast %swap3A_230 : vector<1x64x1024xf32> to vector<64x1024xf32>
    %swap3A_232 = vector.shape_cast %transpose3A_226 : vector<64x1024xf32> to vector<1x64x1024xf32>
    tpu.vector_store %arg5[%swap3A_227, %swap3A_228, %swap3A_229], %swap3A_232 {strides = array<i32>} : memref<4x64x1024xf32, #tpu.memory_space<vmem>>, vector<1x64x1024xf32>,
    return
  }
}

</mosaic_0001>

<sc_bundles>
// kernel: kernel.5.cloned.1.call-start
scs
__scs_entry_jumppad:
0x0: {  	(pc) =	sbr.rel $0x88, $3  }
0x1: {  	(tag) =	ssettag $0x0;
	lr =	simm.s32 $0x1  }
0x2: {  	[smem:$0x3F9E] =	sst lr;
	_ =	strace $0xD0000000  }
0x3: {  	_ = 	snop  }
0x4: {  	_ = 	snop  }
0x5: {  	_ = 	snop  }
0x6: {  	_ = 	snop  }
0x7: {  	_ = 	snop  }
__scs_overlays_trampoline_lowered:
0x8: {  	[smem:$0x3FAD] =	sst s0  }
0x9: {  	[smem:$0x3FAE] =	sst s1  }
0xa: {  	[smem:$0x3FAF] =	sst s2  }
0xb: {  	[smem:$0x3FB0] =	sst s3  }
0xc: {  	[smem:$0x3FB1] =	sst s4  }
0xd: {  	[smem:$0x3FB2] =	sst s5  }
0xe: {  	[smem:$0x3FB3] =	sst s6  }
0xf: {  	[smem:$0x3FB4] =	sst s7  }
0x10: {  	[smem:$0x3FB5] =	sst s8  }
0x11: {  	[smem:$0x3FB6] =	sst s9;
	s0 =	simm.s32 @!p0 $0x0  }
0x12: {  	s1 =	sld [smem:$0x3F9C];
	s0 =	simm.s32 @p0 $0x1  }
0x13: {  	[smem:$0x3FB7] =	sst s0;
	s0 =	simm.s32 @!p1 $0x0  }
0x14: {  	s2 =	sld [smem:$0x3F9B];
	s0 =	simm.s32 @p1 $0x1  }
0x15: {  	[smem:$0x3FB8] =	sst s0;
	s0 =	simm.s32 @!p2 $0x0  }
0x16: {  	s3 =	sld [smem:$0x3FDB];
	s0 =	simm.s32 @p2 $0x1  }
0x17: {  	s4 =	simm.s32 $0x1BF5;
	[smem:$0x3FBA] =	sst s0  }
0x18: {  	s0 =	sld [smem:$0x3F9D];
	_ =	swait.ge [sflag:s4], $0x0  }
0x19: {  	s7 =	sld [smem:$0x3F9E]  }
0x1a: {  	s8 =	sadd.s32 $0xFFFFE003, lr  }
0x1b: {  	s9 =	sadd.s32 $0xFFFFFEF7, lr;
	s5 =	simm.s32 $0xFFFFFFFF;
	p2 =	slt.u32 s8, $0xFFFFF086  }
0x1c: {  	p1 =	slt.u32 s9, $0xF7A;
	s5 =	simm.s32 @!p2 $0x0  }
0x1d: {  	s5 =	simm.s32 @p1 $0x1;
	p0 =	seq.s32 s7, s2  }
0x1e: {  	s7 =	smul.u32 @!p0 $0xF7A, s2;
	p2 =	seq.s32 @!p0 s5, $0x0  }
0x1f: {  	s9 =	smul.u32 $0xF7A, s1;
	s8 =	simm.s32 @!p0 $0x1BF5;
	p2 =	por !p2, p0  }
0x20: {  	[sflag:s8] =	ssyncset.s32 @!p0 $0xFFFFF086;
	s6 =	sadd.s32 @!p0 s3, s7;
	s7 =	simm.s32 @!p0 $0x108  }
0x21: {  	s3 =	sadd.s32 s3, s9;
	s6 =	sadd.s32 @!p0 $0x88, s6;
	s7 =	simm.s32 @p2 $0x1082  }
0x22: {  	[simem:s7], [sflag:s8] =	dma.local @!p0 [hbm:s6], $0xF7A  }
0x23: {  	s9 =	sor.u32 $0xD0000000, s2;
	s6 =	simm.s32 $0x108;
	_ =	swait.ge @!p0 [sflag:s8], $0x0  }
0x24: {  	s3 =	sadd.s32 $0x88, s3;
	s6 =	simm.s32 @!p1 $0x1082;
	[sflag:s4] =	ssyncset.s32 $0xFFFFF086  }
0x25: {  	[simem:s6], [sflag:s4] =	dma.local [hbm:s3], $0xF7A  }
0x26: {  	[smem:$0x3F9E] =	sst s1;
	(tag) =	ssettag s2;
	_ =	strace s9  }
0x27: {  	s1 =	sld [smem:$0x3FAE]  }
0x28: {  	s2 =	sld [smem:$0x3FAF]  }
0x29: {  	s4 =	sld [smem:$0x3FB1]  }
0x2a: {  	p0 =	seq.s32 s5, $0x0;
	s5 =	sld [smem:$0x3FB2]  }
0x2b: {  	s6 =	sld [smem:$0x3FB3]  }
0x2c: {  	s7 =	sld [smem:$0x3FB4]  }
0x2d: {  	s3 =	simm.s32 $0x108;
	s8 =	sld [smem:$0x3FB5]  }
0x2e: {  	s3 =	simm.s32 @!p0 $0x1082;
	s9 =	sld [smem:$0x3FB6]  }
0x2f: {  	lr =	sadd.s32 s0, s3;
	s0 =	sld [smem:$0x3FAD]  }
0x30: {  	s3 =	sld [smem:$0x3FB0]  }
0x31: {  	[smem:$0x3FB9] =	sst s10  }
0x32: {  	s10 =	sld [smem:$0x3FB7];
	_ =	sdelay $0x3  }
0x33: {  	p0 =	seq.s32 s10, $0x1;
	s10 =	sld [smem:$0x3FB9];
	_ =	sdelay $0x3  }
0x34: {  	[smem:$0x3FB9] =	sst s10  }
0x35: {  	s10 =	sld [smem:$0x3FB8];
	_ =	sdelay $0x3  }
0x36: {  	p1 =	seq.s32 s10, $0x1;
	s10 =	sld [smem:$0x3FB9];
	_ =	sdelay $0x3  }
0x37: {  	[smem:$0x3FB9] =	sst s10  }
0x38: {  	s10 =	sld [smem:$0x3FBA]  }
0x39: {  	_ = 	snop;
	(pc) =	sbr.ind lr, $3  }
0x3a: {  	_ = 	snop  }
0x3b: {  	_ = 	snop  }
0x3c: {  	p2 =	seq.s32 s10, $0x1;
	s10 =	sld [smem:$0x3FB9]  }
0x3d: {  	_ =	shalt  }
0x3e: {  	_ =	shalt  }
0x3f: {  	_ =	shalt  }
0x40: {  	_ =	shalt  }
0x41: {  	_ =	shalt  }
0x42: {  	_ =	shalt  }
0x43: {  	_ =	shalt  }
0x44: {  	_ =	shalt  }
0x45: {  	_ =	shalt  }
0x46: {  	_ =	shalt  }
0x47: {  	_ =	shalt  }
0x48: {  	_ =	shalt  }
0x49: {  	_ =	shalt  }
0x4a: {  	_ =	shalt  }
0x4b: {  	_ =	shalt  }
0x4c: {  	_ =	shalt  }
0x4d: {  	_ =	shalt  }
0x4e: {  	_ =	shalt  }
0x4f: {  	_ =	shalt  }
0x50: {  	_ =	shalt  }
0x51: {  	_ =	shalt  }
0x52: {  	_ =	shalt  }
0x53: {  	_ =	shalt  }
0x54: {  	_ =	shalt  }
0x55: {  	_ =	shalt  }
0x56: {  	_ =	shalt  }
0x57: {  	_ =	shalt  }
0x58: {  	_ =	shalt  }
0x59: {  	_ =	shalt  }
0x5a: {  	_ =	shalt  }
0x5b: {  	_ =	shalt  }
0x5c: {  	_ =	shalt  }
0x5d: {  	_ =	shalt  }
0x5e: {  	_ =	shalt  }
0x5f: {  	_ =	shalt  }
0x60: {  	_ =	shalt  }
0x61: {  	_ =	shalt  }
0x62: {  	_ =	shalt  }
0x63: {  	_ =	shalt  }
0x64: {  	_ =	shalt  }
0x65: {  	_ =	shalt  }
0x66: {  	_ =	shalt  }
0x67: {  	_ =	shalt  }
0x68: {  	_ =	shalt  }
0x69: {  	_ =	shalt  }
0x6a: {  	_ =	shalt  }
0x6b: {  	_ =	shalt  }
0x6c: {  	_ =	shalt  }
0x6d: {  	_ =	shalt  }
0x6e: {  	_ =	shalt  }
0x6f: {  	_ =	shalt  }
0x70: {  	_ =	shalt  }
0x71: {  	_ =	shalt  }
0x72: {  	_ =	shalt  }
0x73: {  	_ =	shalt  }
0x74: {  	_ =	shalt  }
0x75: {  	_ =	shalt  }
0x76: {  	_ =	shalt  }
0x77: {  	_ =	shalt  }
0x78: {  	_ =	shalt  }
0x79: {  	_ =	shalt  }
0x7a: {  	_ =	shalt  }
0x7b: {  	_ =	shalt  }
0x7c: {  	_ =	shalt  }
0x7d: {  	_ =	shalt  }
0x7e: {  	_ =	shalt  }
0x7f: {  	_ =	shalt  }
0x80: {  	_ =	shalt  }
0x81: {  	_ =	shalt  }
0x82: {  	_ =	shalt  }
0x83: {  	_ =	shalt  }
0x84: {  	_ =	shalt  }
0x85: {  	_ =	shalt  }
0x86: {  	_ =	shalt  }
0x87: {  	_ =	shalt  }
.Lfunc_end0:
.L_simem_size_0:
called_computation_lowered:
.L_overlay_start_0:
0x88: {  	s2 =	sld [smem:$0x3FD9]  }
0x89: {  	s3 =	sld [smem:$0x3FFE];
	_ =	sdelay $0x1  }
0x8a: {  	s1 =	srdreg.scid  }
0x8b: {  	s0 =	sand.u32 $0x1, s1  }
0x8c: {  	s17 =	sshll.u32 s0, $0xA;
	s2 =	sadd.s32 s3, s2  }
0x8d: {  	s2 =	sadd.s32 s2, s17  }
0x8e: {  	[smem:$0x3FC5] =	sst s2  }
0x8f: {  	_ = 	snop  }
0x90: {  	s2 =	sld [smem:$0x3FD0];
	(tm) =	ssettm $0x1  }
0x91: {  	s18 =	sld [smem:$0x3FFB];
	_ =	sdelay $0x3  }
0x92: {  	_ =	strace s18  }
0x93: {  	s3 =	sld [smem:$0x3FFC];
	_ =	sdelay $0x3  }
0x94: {  	_ =	strace s3  }
0x95: {  	s3 =	sld [smem:$0x3FFD];
	_ =	sdelay $0x3  }
0x96: {  	_ =	strace s3  }
0x97: {  	_ =	strace $0x8FFFFFFF  }
0x98: {  	s19 =	sld [smem:$0x3FDB];
	_ =	sdelay $0x1  }
0x99: {  	s4 =	simm.s32 $_scs_section_size  }
0x9a: {  	s5 =	simm.s32 $_size__tile_overlayer_lowered;
	s6 =	simm.s32 $_tile_overlayer_lowered  }
0x9b: {  	s22 =	simm.s32 $0x1BFF;
	s21 =	sshll.u32 s6, $0x1;
	s3 =	sadd.s32 s4, s19  }
0x9c: {  	s7 =	simm.s32 $0x0;
	s20 =	sshll.u32 s5, $0x1;
	s5 =	sadd.s32 s21, s3  }
0x9d: {  	[timem:s7], [sflag:s22] =	dma.local [hbm:s5], s20  }
0x9e: {  	_ =	swait.ge [sflag:s22], s20  }
0x9f: {  	s4 =	ssub.s32 $0x0, s20;
	[sflag:s22] =	ssyncset.done $0x0  }
0xa0: {  	[sflag:s22] =	ssyncadd.s32 s4;
	_ =	sdelay $0x1  }
0xa1: {  	s23 =	simm.s32 $0x1B8B  }
0xa2: {  	_ =	swait.ge [sflag:s23], $0x1  }
0xa3: {  	[sflag:s23] =	ssyncset.done $0x0  }
0xa4: {  	s25 =	simm.s32 $0x1B8E;
	s24 =	sld [smem:$0x3FFE];
	[sflag:s23] =	ssyncadd.s32 $0xFFFFFFFF  }
0xa5: {  	s26 =	simm.s32 $execute0_lowered;
	[smem:$0x3FD2] =	sst s25  }
0xa6: {  	s5 =	sshll.u32 s26, $0x1;
	_ =	strace $0x80000046;
	[dreg:$0x1] =	wrdreg $0xFFFFFFFF  }
0xa7: {  	s28 =	simm.s32 $_size_execute0_lowered;
	s3 =	sadd.s32 s3, s5;
	[dreg:$0x0] =	wrdreg $0x0  }
0xa8: {  	s5 =	sshll.u32 s28, $0x1;
	[dreg:$0x2] =	wrdreg s3  }
0xa9: {  	[dreg:$0x3] =	wrdreg s5  }
0xaa: {  	[dreg:$0x4] =	wrdreg $0xC0  }
0xab: {  	_ =	task [dreg:s7], $0x5FFFF  }
0xac: {  	[dreg:$0x1] =	wrdreg $0xFFFFFFFF  }
0xad: {  	[dreg:$0x0] =	wrdreg $0x60  }
0xae: {  	[dreg:$0x2] =	wrdreg s2  }
0xaf: {  	[dreg:$0x3] =	wrdreg s24  }
0xb0: {  	[dreg:$0x4] =	wrdreg $0x9  }
0xb1: {  	_ =	task.clear_ibuf [dreg:s7], $0x5FFFF;
	_ =	strace $0x90000046  }
0xb2: {  	s29 =	simm.s32 $0x9;
	_ =	strace $0x80000048  }
0xb3: {  	_ =	swait.ge [sflag:s29], $0x1  }
0xb4: {  	[sflag:s29] =	ssyncadd.s32 $0xFFFFFFFF  }
0xb5: {  	_ =	strace $0x90000048  }
0xb6: {  	_ =	sfence  }
0xb7: {  	s30 =	sld [smem:$0x0];
	_ =	sdelay $0x2  }
0xb8: {  	s31 =	sshll.u32 s1, $0xD;
	s1 =	sshrl.u32 s1, $0x2  }
0xb9: {  	s3 =	sand.u32 $0x4000, s31;
	s1 =	sadd.s32 s1, s30  }
0xba: {  	s0 =	sor.u32 s3, s0;
	s1 =	sshll.u32 s1, $0x11  }
0xbb: {  	s0 =	sor.u32 s1, s0  }
0xbc: {  	s0 =	sadd.s32 $0x8F2B, s0  }
0xbd: {  	[sflag:s0] =	ssyncadd.remote.s32 $0x1  }
0xbe: {  	_ =	sfence.sel $0xFFFF  }
0xbf: {  	[dreg:$0x0] =	wrdreg $0xFFFFFFFF;
	(pc) =	sbr.abs _section_cstart, $3  }
0xc0: {  	[dreg:$0x1] =	wrdreg $0xFFFFFFFF  }
0xc1: {  	_ =	task.clear_ibuf [dreg:s7], $0x2FFFF;
	_ =	strace $0x9FFFFFFF  }
0xc2: {  	(tm) =	ssettm $0x7FFFFFFF  }
0xc3: {  	_ =	shalt  }
tec
execute0_lowered:
.L_overlay_start_1:
0x0: {  	(tag) =	ssettag $0x1  }
0x1: {  	s1 =	srdreg.scid;
	s5 =	rddreg [dreg:$0x0]  }
0x2: {  	s0 =	stileid.u32;
	s7 =	rddreg [dreg:$0x1]  }
0x3: {  	s11 =	simm.s32 $0x4100;
	s12 =	simm.s32 $0x2;
	s14 =	simm.s32 $0x4000  }
0x4: {  	s15 =	simm.s32 $0x0;
	s4 =	sand.u32 $0x1, s1;
	s28 =	sshrl.u32 s0, $0x3  }
0x5: {  	s8 =	sand.u32 $0x7, s0;
	s1 =	rddreg [dreg:$0x2];
	s2 =	sshll.u32 s4, $0x1  }
0x6: {  	s4 =	ssub.s32 $0x2, s4;
	s10 =	sshll.u32 s8, $0xB;
	s6 =	sor.u32 s28, s2  }
0x7: {  	s2 =	simm.s32 $0x0;
	s29 =	sshrl.u32 s4, $0x1;
	s3 =	sshll.u32 s6, $0x3  }
0x8: {  	s5 =	sadd.s32 s5, s10;
	s10 =	simm.s32 $0x4080;
	s3 =	sor.u32 s8, s3  }
0x9: {  	[smem:$0x7FF] =	sst s2;
	s30 =	sshll.u32 s6, $0xE;
	s9 =	smul.u32 $0x2400, s3  }
0xa: {  	s31 =	sshll.u32 s6, $0xA;
	_ =	strace $0x80000047;
	s8 =	sshll.u32 s8, $0x7  }
0xb: {  	s3 =	sadd.s32 $0x1000, s7;
	s13 =	sor.u32 s8, s31;
	s9 =	sshrl.u32 s9, $0x3  }
0xc: {  	s8 =	simm.s32 $0x1;
	v0 =	vmov s13;
	s13 =	simm.s32 $0x3;
	s7 =	sadd.s32 s9, s7  }
0xd: {  	s9 =	ssub.s32 s4, s29;
	s4 =	sadd.s32 s30, s5;
	s5 =	sadd.s32 $0x11000, s7  }
0xe: {  	s6 =	sadd.s32 $0x11400, s7;
	s7 =	smax.u32 s9, $0x1;
	s9 =	simm.s32 $0x40  }
.LBB2_1:
0xf: {  	[tilespmem:s2], [sflag:$0x1] =	stream.linear.gather [hbm4b:s4+s2], $0x4000, $0x38;
	[tilespmem:$0x6100] =	vst v63  }
0x10: {  	_ =	swait.ge [sflag:s8], $0x4000  }
0x11: {  	[sflag:s8] =	ssyncset.done $0x0  }
0x12: {  	s16 =	simm.s32 $0x20;
	[sflag:s8] =	ssyncadd.s32 $0xFFFFC000  }
0x13: {  	v12 =	vld [tilespmem:s16+$0xFFFFFFE0]  }
0x14: {  	v8 =	vld [tilespmem:s16+$0xFFFFFFF0]  }
0x15: {  	v3 =	vld [tilespmem:s16+$0x0]  }
0x16: {  	v7 =	vimm.f32 $-Inf;
	v9 =	vimm.s32 $0x0;
	v2 =	vld [tilespmem:s16+$0x10]  }
0x17: {  	v6 =	vimm.f32 $-Inf;
	v4 =	vimm.f32 $-Inf;
	v1 =	vimm.f32 $-Inf  }
0x18: {  	s17 =	simm.s32 $0x1;
	s18 =	simm.s32 $0xA0;
	v11 =	vimm.s32 $0x0;
	v10 =	vimm.s32 $0x0;
	v5 =	vimm.s32 $0x0;
	s16 =	simm.s32 $0x0  }
.LBB2_2:
0x19: {  	v13 =	vld [tilespmem:s18+$0xFFFFFFE0];
	vm0 =	vgt.f32 v12, v7;
	v14 =	vmov v8;
	s19 =	smov.u32 s17;
	p0 =	sne.s32 s17, $0x7F  }
.Ltmp0:
0x1a: {  	v8 =	vld [tilespmem:s18+$0xFFFFFFF0];
	v7 =	vsel vm0, v12, v7;
	v9 =	vsel vm0, s16, v9;
	v12 =	vmov v3;
	(pc) =	sbr.rel @p0 .LBB2_2-.Ltmp0, $4  }
0x1b: {  	vm0 =	vgt.f32 v14, v6;
	v3 =	vld [tilespmem:s18+$0x0];
	vm1 =	vgt.f32 v12, v4;
	vm2 =	vgt.f32 v2, v1  }
0x1c: {  	s17 =	sadd.s32 $0x1, s17;
	v6 =	vsel vm0, v14, v6;
	v4 =	vsel vm1, v12, v4;
	v1 =	vsel vm2, v2, v1;
	v2 =	vld [tilespmem:s18+$0x10]  }
0x1d: {  	v11 =	vsel vm0, s16, v11;
	v10 =	vsel vm1, s16, v10;
	v5 =	vsel vm2, s16, v5;
	s16 =	smov.u32 s19  }
0x1e: {  	s18 =	sadd.s32 $0x80, s18;
	v12 =	vmov v13  }
0x1f: {  	vm0 =	vgt.f32 v12, v7  }
0x20: {  	vm13 =	vgt.f32 v8, v6;
	v7 =	vsel vm0, v12, v7  }
0x21: {  	v9 =	vsel vm0, s16, v9;
	v6 =	vsel vm13, v8, v6;
	[tilespmem:$0x4000] =	vst v7  }
0x22: {  	v61 =	vsel vm13, s16, v11;
	v60 =	vadd.s32 v9, v0;
	[tilespmem:$0x4010] =	vst v6  }
0x23: {  	vm14 =	vgt.f32 v3, v4;
	v62 =	vadd.s32 v61, v0;
	[tilespmem:$0x4080] =	vst v60  }
0x24: {  	v3 =	vsel vm14, v3, v4;
	v63 =	vsel vm14, s16, v10;
	[tilespmem:$0x4090] =	vst v62  }
0x25: {  	vm15 =	vgt.f32 v2, v1;
	[tilespmem:$0x4020] =	vst v3;
	v3 =	vadd.s32 v63, v0  }
0x26: {  	v1 =	vsel vm15, v2, v1;
	v2 =	vsel vm15, s16, v5;
	[tilespmem:$0x40A0] =	vst v3  }
0x27: {  	[tilespmem:$0x4030] =	vst v1;
	v1 =	vadd.s32 v2, v0  }
0x28: {  	[tilespmem:$0x40B0] =	vst v1  }
0x29: {  	[tilespmem:s11], [sflag:$0x2] =	stream.indirect.gather [hbm4b:s3+s9], $0x80, s10, s9, $0xb8;
	[tilespmem:$0x6100] =	vst v63  }
0x2a: {  	_ =	swait.ge [sflag:s12], $0x2000  }
0x2b: {  	[sflag:s12] =	ssyncset.done $0x0  }
0x2c: {  	[sflag:s12] =	ssyncadd.s32 $0xFFFFE000  }
0x2d: {  	[hbm4b:s5+s2] =	stream.linear.scatter [tilespmem:s11], [sflag:$0x3], $0x2000, $0x38;
	[tilespmem:$0x6100] =	vst v63  }
0x2e: {  	s15 =	sadd.s32 $0x1, s15;
	_ =	swait.ge [sflag:s13], $0x2000  }
0x2f: {  	p0 =	sne.s32 s15, s7;
	[sflag:s13] =	ssyncset.done $0x0  }
.Ltmp1:
0x30: {  	[sflag:s13] =	ssyncadd.s32 $0xFFFFE000;
	(pc) =	sbr.rel @p0 .LBB2_1-.Ltmp1, $4  }
0x31: {  	[hbm4b:s6+s2] =	stream.linear.scatter [tilespmem:s14], [sflag:$0x3], $0x80, $0x38;
	[tilespmem:$0x6100] =	vst v63  }
0x32: {  	_ =	swait.ge [sflag:s13], $0x80  }
0x33: {  	[sflag:s13] =	ssyncset.done $0x0  }
0x34: {  	[sflag:s13] =	ssyncadd.s32 $0xFFFFFF80  }
0x35: {  	_ =	sfence.sel $0x180000  }
0x36: {  	[bflag:$0x0] =	sbarrier.arrive $0xFFFF  }
0x37: {  	p0 =	sne.s32 s0, $0x0;
	_ =	strace $0x90000047  }
0x38: {  	s0 =	sadd.s32 @!p0 $0x100000, s1;
	[bflag:$0x2] =	sbarrier.arrive $0xFFFF  }
0x39: {  	[sflag:s0] =	ssyncadd.tile.s32 @!p0 $0x1;
	_ =	shalt  }
.Lfunc_end2:
_tile_overlayer_lowered:
.L_overlay_start_2:
0x3a: {  	(tag) =	ssettag $0x2  }
0x3b: {  	s0 =	rddreg [dreg:$0x0];
	s2 =	stileid.u32  }
0x3c: {  	s1 =	rddreg [dreg:$0x1];
	p0 =	sne.s32 s2, $0x0  }
0x3d: {  	s3 =	rddreg [dreg:$0x2];
	[bflag:$0x3] =	sbarrier.arrive $0xFFFF;
	s2 =	simm.s32 @!p0 $0x1C03  }
0x3e: {  	[timem:s3], [sflag:s2] =	dma.local @!p0 [hbm:s0], s1  }
0x3f: {  	s0 =	simm.s32 @!p0 $0x3  }
0x40: {  	_ =	swait.ge @!p0 [sflag:s0], s1  }
0x41: {  	s1 =	ssub.s32 @!p0 $0x0, s1;
	[sflag:s0] =	ssyncset.done @!p0 $0x0  }
0x42: {  	[sflag:s0] =	ssyncadd.s32 @!p0 s1  }
0x43: {  	[bflag:$0x3] =	sbarrier.arrive $0xFFFF  }
0x44: {  	_ =	shalt  }

</sc_bundles>
